<compile_context>
chip_gen: v7x
topology: tpu7x:2x2x1
jax: 0.10.2.dev20260603
libtpu: 0.0.44.dev20260713+nightly
codegen_flags: <defaults>
</compile_context>

<pallas_src>
import dataclasses

import jax
import jax.numpy as jnp
from jax import lax
from jax.experimental import pallas as pl
from jax.experimental.pallas import tpu as pltpu
from jax.experimental.pallas import tpu_sc as plsc

N = 10000
E = 320000
D = 128

NC = 2
NS = 16
NW = NC * NS
EPW = E // NW
CH = 80
NCHUNK_H = EPW // CH
RPS = 632
RPS_LAST = N - (NS - 1) * RPS


def _sc_h_body(feat_hbm, zeros_hbm, src_hbm, dst_hbm, h_out, deg_out,
               srcv, dstv, buf_a, buf_b, hist, h_sh, sem):
    c = lax.axis_index("c")
    s = lax.axis_index("s")
    w = c * NS + s
    ones16 = jnp.ones((16,), jnp.float32)
    zeros16 = jnp.zeros((16,), jnp.float32)

    @pl.when(s < NS - 1)
    def _():
        pltpu.async_copy(zeros_hbm, h_sh.at[pl.ds(s * RPS, RPS)], sem)

    @pl.when(s == NS - 1)
    def _():
        pltpu.async_copy(zeros_hbm.at[pl.ds(0, RPS_LAST)],
                         h_sh.at[pl.ds(s * RPS, RPS_LAST)], sem)

    pltpu.async_copy(src_hbm.at[pl.ds(w * EPW, EPW)], srcv, sem)
    pltpu.async_copy(dst_hbm.at[w], dstv, sem)

    @pl.loop(0, N, step=16)
    def _(i):
        hist[pl.ds(i, 16)] = zeros16

    @pl.when(s < NS - 1)
    def _():
        pltpu.make_async_copy(zeros_hbm, h_sh.at[pl.ds(s * RPS, RPS)],
                              sem).wait()

    @pl.when(s == NS - 1)
    def _():
        pltpu.make_async_copy(zeros_hbm.at[pl.ds(0, RPS_LAST)],
                              h_sh.at[pl.ds(s * RPS, RPS_LAST)], sem).wait()

    pltpu.make_async_copy(src_hbm.at[pl.ds(w * EPW, EPW)], srcv, sem).wait()
    pltpu.make_async_copy(dst_hbm.at[w], dstv, sem).wait()

    plsc.subcore_barrier()

    def _start(j, buf, sem_):
        pltpu.async_copy(feat_hbm.at[srcv.at[pl.ds(j * CH, CH)]], buf, sem_)

    def _wait(j, buf, sem_):
        pltpu.make_async_copy(feat_hbm.at[srcv.at[pl.ds(j * CH, CH)]],
                              buf, sem_).wait()

    def _scatter(j, buf):
        pltpu.sync_copy(buf, h_sh.at[dstv.at[j]], add=True)

    def _count(j):
        for k in range(0, CH, 16):
            plsc.addupdate_scatter(hist, [dstv[j, pl.ds(k, 16)]], ones16)

    _start(0, buf_a, sem)
    _start(1, buf_b, sem)

    @pl.loop(0, NCHUNK_H - 3, step=2)
    def _(j):
        _count(j)
        _wait(j, buf_a, sem)
        _scatter(j, buf_a)
        _start(j + 2, buf_a, sem)
        _count(j + 1)
        _wait(j + 1, buf_b, sem)
        _scatter(j + 1, buf_b)
        _start(j + 3, buf_b, sem)

    _count(NCHUNK_H - 3)
    _wait(NCHUNK_H - 3, buf_a, sem)
    _scatter(NCHUNK_H - 3, buf_a)
    _start(NCHUNK_H - 1, buf_a, sem)
    _count(NCHUNK_H - 2)
    _wait(NCHUNK_H - 2, buf_b, sem)
    _scatter(NCHUNK_H - 2, buf_b)
    _count(NCHUNK_H - 1)
    _wait(NCHUNK_H - 1, buf_a, sem)
    _scatter(NCHUNK_H - 1, buf_a)

    plsc.subcore_barrier()

    base = s * RPS

    @pl.when(s < NS - 1)
    def _():
        pltpu.sync_copy(h_sh.at[pl.ds(base, RPS)],
                        h_out.at[pl.ds(c * N + base, RPS)])

    @pl.when(s == NS - 1)
    def _():
        pltpu.sync_copy(h_sh.at[pl.ds(base, RPS_LAST)],
                        h_out.at[pl.ds(c * N + base, RPS_LAST)])

    pltpu.sync_copy(hist, deg_out.at[pl.ds(w * N, N)])


_SC_CACHE = {}


def _get_sc_kernel():
    if "h" not in _SC_CACHE:
        mesh = plsc.VectorSubcoreMesh(
            core_axis_name="c", subcore_axis_name="s",
            num_cores=NC, num_subcores=NS,
        )
        cp = pltpu.CompilerParams(use_tc_tiling_on_sc=False)
        if "needs_layout_passes" in pltpu.CompilerParams.__dataclass_fields__:
            cp = dataclasses.replace(cp, needs_layout_passes=False)
        _SC_CACHE["h"] = pl.kernel(
            _sc_h_body,
            out_type=[
                jax.ShapeDtypeStruct((NC * N, D), jnp.float32),
                jax.ShapeDtypeStruct((NW * N,), jnp.float32),
            ],
            mesh=mesh,
            compiler_params=cp,
            scratch_types=[
                pltpu.VMEM((EPW,), jnp.int32),
                pltpu.VMEM((NCHUNK_H, CH), jnp.int32),
                pltpu.VMEM((CH, D), jnp.float32),
                pltpu.VMEM((CH, D), jnp.float32),
                pltpu.VMEM((N,), jnp.float32),
                pltpu.VMEM_SHARED((N, D), jnp.float32),
                pltpu.SemaphoreType.DMA,
            ],
        )
    return _SC_CACHE["h"]


BLK = 2000


def _tc_self_body(feat_ref, w1_ref, b_ref, o_ref):
    o_ref[...] = lax.dot_general(feat_ref[...], w1_ref[...],
                                 (((1,), (1,)), ((), ())),
                                 precision=lax.Precision.HIGHEST,
                                 preferred_element_type=jnp.float32) + b_ref[...]


_tc_self = pl.pallas_call(
    _tc_self_body,
    grid=(N // BLK,),
    in_specs=[
        pl.BlockSpec((BLK, D), lambda i: (i, 0)),
        pl.BlockSpec((D, D), lambda i: (0, 0)),
        pl.BlockSpec((1, D), lambda i: (0, 0)),
    ],
    out_specs=pl.BlockSpec((BLK, D), lambda i: (i, 0)),
    out_shape=jax.ShapeDtypeStruct((N, D), jnp.float32),
)


def _tc_agg_body(tmp_ref, h_ref, d_ref, w2_ref, o_ref):
    h = h_ref[0] + h_ref[1]
    deg = d_ref[...]
    ah = h / jnp.maximum(deg, 1.0)
    o_ref[...] = tmp_ref[...] + lax.dot_general(
        ah, w2_ref[...], (((1,), (1,)), ((), ())),
        precision=lax.Precision.HIGHEST,
        preferred_element_type=jnp.float32)


_tc_agg = pl.pallas_call(
    _tc_agg_body,
    grid=(N // BLK,),
    in_specs=[
        pl.BlockSpec((BLK, D), lambda i: (i, 0)),
        pl.BlockSpec((NC, BLK, D), lambda i: (0, i, 0)),
        pl.BlockSpec((BLK, 1), lambda i: (i, 0)),
        pl.BlockSpec((D, D), lambda i: (0, 0)),
    ],
    out_specs=pl.BlockSpec((BLK, D), lambda i: (i, 0)),
    out_shape=jax.ShapeDtypeStruct((N, D), jnp.float32),
)


@jax.jit
def kernel(feat, edge_index, W1, b1, W2, b2):
    src = edge_index[0].astype(jnp.int32)
    dst_h = edge_index[1].astype(jnp.int32).reshape(NW, NCHUNK_H, CH)
    sc_h = _get_sc_kernel()
    zeros_blk = jnp.zeros((RPS, D), jnp.float32)
    h_flat, deg_flat = sc_h(feat, zeros_blk, src, dst_h)
    h_parts = h_flat.reshape(NC, N, D)
    deg_w = deg_flat.reshape(NW, N).sum(axis=0).reshape(N, 1)
    bias = (b1 + b2).reshape(1, D)
    tmp = _tc_self(feat, W1, bias)
    return _tc_agg(tmp, h_parts, deg_w, W2)

# --- scband reference (transcript-rebuilt; emitter-appended) ---
"""Pipeline reference for scband-graph-sagelayer-46033459479141 (READ-ONLY COPY).

The authoritative reference and input builder live on the scoring server;
editing this copy changes nothing except your own understanding.
"""

import jax, jax.numpy as jnp
import numpy as np

N = 10000
E = 320000
D_IN = 128
D_OUT = 128


def setup_inputs(seed: int = 0) -> dict:
    key = jax.random.key(seed)
    k1, k2, k3, k4, k5, k6 = jax.random.split(key, 6)
    feat = jax.random.normal(k1, (N, D_IN), dtype=jnp.float32)
    edge_index = jax.random.randint(k2, (2, E), 0, N)
    stdv = 1.0 / np.sqrt(D_IN)
    W1 = jax.random.uniform(k3, (D_OUT, D_IN), minval=-stdv, maxval=stdv, dtype=jnp.float32)
    b1 = jax.random.uniform(k4, (D_OUT,), minval=-stdv, maxval=stdv, dtype=jnp.float32)
    W2 = jax.random.uniform(k5, (D_OUT, D_IN), minval=-stdv, maxval=stdv, dtype=jnp.float32)
    b2 = jax.random.uniform(k6, (D_OUT,), minval=-stdv, maxval=stdv, dtype=jnp.float32)
    return {"feat": feat, "edge_index": edge_index, "W1": W1, "b1": b1, "W2": W2, "b2": b2}


def reference(feat, edge_index, W1, b1, W2, b2):
    # GraphSAGE (eval path): mean-aggregate neighbor features via copy_u + sum,
    # divide by in-degree, then linear1(self) + linear2(agg).
    src = edge_index[0]
    dst = edge_index[1]
    n = feat.shape[0]
    msg = jnp.take(feat, src, axis=0)               # gather: copy_u
    h = jax.ops.segment_sum(msg, dst, num_segments=n)  # scatter-add: fn.sum
    degs = jax.ops.segment_sum(jnp.ones((src.shape[0],), dtype=feat.dtype), dst, num_segments=n)
    degs = jnp.maximum(degs, 1.0)[:, None]
    ah = h / degs
    out = feat @ W1.T + b1 + ah @ W2.T + b2
    return out

if __name__ == "__main__":
    import jax
    _d = setup_inputs()
    print(jax.jit(kernel)(*tuple(_d.values())))

</pallas_src>

<mosaic_0001>
#map = affine_map<(d0, d1) -> (0, 0)>
#map1 = affine_map<(d0, d1) -> (0)>
#map2 = affine_map<(d0, d1) -> (0, 0, 0)>
module attributes {stable_mosaic.version = 14 : i64} {
  func.func @_sc_h_body(%arg0: i32, %arg1: i32, %arg2: memref<10000x128xf32, #tpu.memory_space<hbm>>, %arg3: memref<632x128xf32, #tpu.memory_space<hbm>>, %arg4: memref<320000xi32, #tpu.memory_space<hbm>>, %arg5: memref<32x125x80xi32, #tpu.memory_space<hbm>>, %arg6: memref<20000x128xf32, #tpu.memory_space<hbm>>, %arg7: memref<320000xf32, #tpu.memory_space<hbm>>, %arg8: memref<10000xi32, #tpu.memory_space<vmem>>, %arg9: memref<125x80xi32, #tpu.memory_space<vmem>>, %arg10: memref<80x128xf32, #tpu.memory_space<vmem>>, %arg11: memref<80x128xf32, #tpu.memory_space<vmem>>, %arg12: memref<10000xf32, #tpu.memory_space<vmem>>, %arg13: memref<10000x128xf32, #tpu.memory_space<vmem_shared>>, %arg14: memref<!tpu.dma_semaphore, #tpu.memory_space<semaphore_mem>>) attributes {dimension_semantics = [#tpu.dimension_semantics<core_parallel>, #tpu.dimension_semantics<subcore_parallel>], iteration_bounds = array<i64: 2, 16>, scalar_prefetch = 0 : i64, scratch_operands = 7 : i64, tpu.core_type = #tpu.core_type<sc_vector_subcore>, window_params = [{transform_indices = #map}, {transform_indices = #map}, {transform_indices = #map1}, {transform_indices = #map2}, {transform_indices = #map}, {transform_indices = #map1}]} {
    %mul3A = arith.constant 16 : i32
    %mul3A_0 = arith.muli %arg0, %mul3A : i32
    %add3A = arith.addi %mul3A_0, %arg1 : i32
    %broadcast_in_dim3A = arith.constant 1.000000e+00 : f32
    %broadcast_in_dim3A_1 = vector.broadcast %broadcast_in_dim3A : f32 to vector<16xf32>
    %broadcast_in_dim3A_2 = arith.constant 0.000000e+00 : f32
    %broadcast_in_dim3A_3 = vector.broadcast %broadcast_in_dim3A_2 : f32 to vector<16xf32>
    %lt3A = arith.constant 15 : i32
    %lt3A_4 = arith.cmpi slt, %arg1, %lt3A : i32
    %convert_element_type3A = arith.extui %lt3A_4 : i1 to i32
    %cond3A = arith.constant 0 : i32
    %cond3A_5 = arith.cmpi ne, %convert_element_type3A, %cond3A : i32
    scf.if %cond3A_5 {
      %mul3A_157 = arith.constant 632 : i32
      %mul3A_158 = arith.muli %arg1, %mul3A_157 : i32
      %dma_start3A_159 = arith.constant 0 : i32
      %dma_start3A_160 = tpu.memref_slice %arg13[%mul3A_158, %dma_start3A_159] : memref<10000x128xf32, #tpu.memory_space<vmem_shared>> -> memref<632x128xf32, #tpu.memory_space<vmem_shared>>
      tpu.enqueue_dma source(%arg3 : memref<632x128xf32, #tpu.memory_space<hbm>>) target(%dma_start3A_160 : memref<632x128xf32, #tpu.memory_space<vmem_shared>>) target_semaphore(%arg14 : memref<!tpu.dma_semaphore, #tpu.memory_space<semaphore_mem>>)
    } else {
    }
    %eq3A = arith.constant 15 : i32
    %eq3A_6 = arith.cmpi eq, %arg1, %eq3A : i32
    %convert_element_type3A_7 = arith.extui %eq3A_6 : i1 to i32
    %cond3A_8 = arith.constant 0 : i32
    %cond3A_9 = arith.cmpi ne, %convert_element_type3A_7, %cond3A_8 : i32
    scf.if %cond3A_9 {
      %mul3A_157 = arith.constant 632 : i32
      %mul3A_158 = arith.muli %arg1, %mul3A_157 : i32
      %dma_start3A_159 = arith.constant 0 : i32
      %dma_start3A_160 = tpu.memref_slice %arg13[%mul3A_158, %dma_start3A_159] : memref<10000x128xf32, #tpu.memory_space<vmem_shared>> -> memref<520x128xf32, #tpu.memory_space<vmem_shared>>
      %dma_start3A_161 = arith.constant 0 : i32
      %dma_start3A_162 = arith.constant 0 : i32
      %dma_start3A_163 = tpu.memref_slice %arg3[%dma_start3A_161, %dma_start3A_162] : memref<632x128xf32, #tpu.memory_space<hbm>> -> memref<520x128xf32, #tpu.memory_space<hbm>>
      tpu.enqueue_dma source(%dma_start3A_163 : memref<520x128xf32, #tpu.memory_space<hbm>>) target(%dma_start3A_160 : memref<520x128xf32, #tpu.memory_space<vmem_shared>>) target_semaphore(%arg14 : memref<!tpu.dma_semaphore, #tpu.memory_space<semaphore_mem>>)
    } else {
    }
    %mul3A_10 = arith.constant 10000 : i32
    %mul3A_11 = arith.muli %add3A, %mul3A_10 : i32
    %dma_start3A = tpu.memref_slice %arg4[%mul3A_11] : memref<320000xi32, #tpu.memory_space<hbm>> -> memref<10000xi32, #tpu.memory_space<hbm>>
    %dma_start3A_12 = tpu.memref_slice %arg4[%mul3A_11] : memref<320000xi32, #tpu.memory_space<hbm>> -> memref<10000xi32, #tpu.memory_space<hbm>>
    tpu.enqueue_dma source(%dma_start3A_12 : memref<10000xi32, #tpu.memory_space<hbm>>) target(%arg8 : memref<10000xi32, #tpu.memory_space<vmem>>) target_semaphore(%arg14 : memref<!tpu.dma_semaphore, #tpu.memory_space<semaphore_mem>>)
    %dma_start3A_13 = arith.constant 0 : i32
    %dma_start3A_14 = arith.constant 0 : i32
    %dma_start3A_15 = tpu.memref_slice %arg5[%add3A, %dma_start3A_13, %dma_start3A_14] : memref<32x125x80xi32, #tpu.memory_space<hbm>> -> memref<1x125x80xi32, #tpu.memory_space<hbm>>
    %dma_start3A_16 = tpu.memref_squeeze %dma_start3A_15 : memref<1x125x80xi32, #tpu.memory_space<hbm>> -> memref<125x80xi32, #tpu.memory_space<hbm>>
    %dma_start3A_17 = arith.constant 0 : i32
    %dma_start3A_18 = arith.constant 0 : i32
    %dma_start3A_19 = tpu.memref_slice %arg5[%add3A, %dma_start3A_17, %dma_start3A_18] : memref<32x125x80xi32, #tpu.memory_space<hbm>> -> memref<1x125x80xi32, #tpu.memory_space<hbm>>
    %dma_start3A_20 = tpu.memref_squeeze %dma_start3A_19 : memref<1x125x80xi32, #tpu.memory_space<hbm>> -> memref<125x80xi32, #tpu.memory_space<hbm>>
    tpu.enqueue_dma source(%dma_start3A_20 : memref<125x80xi32, #tpu.memory_space<hbm>>) target(%arg9 : memref<125x80xi32, #tpu.memory_space<vmem>>) target_semaphore(%arg14 : memref<!tpu.dma_semaphore, #tpu.memory_space<semaphore_mem>>)
    %scan3A = arith.constant 0 : i32
    %scan3A_21 = arith.constant 625 : i32
    %scan3A_22 = arith.addi %scan3A, %scan3A_21 : i32
    %scan3A_23 = arith.constant 1 : i32
    scf.for %scan3A_157 = %scan3A to %scan3A_22 step %scan3A_23  : i32 {
      %mul3A_158 = arith.constant 16 : i32
      %mul3A_159 = arith.muli %scan3A_157, %mul3A_158 : i32
      %add3A_160 = arith.constant 0 : i32
      %add3A_161 = arith.addi %add3A_160, %mul3A_159 : i32
      %swap3A = arith.index_cast %add3A_161 : i32 to index
      %swap3A_162 = tpu.vector_load %arg12[%swap3A] {strides = array<i32>} : memref<10000xf32, #tpu.memory_space<vmem>>, vector<16xf32>,
      tpu.vector_store %arg12[%swap3A], %broadcast_in_dim3A_3 {strides = array<i32>} : memref<10000xf32, #tpu.memory_space<vmem>>, vector<16xf32>,
    }
    %scan3A_24 = arith.constant 625 : i32
    %lt3A_25 = arith.constant 15 : i32
    %lt3A_26 = arith.cmpi slt, %arg1, %lt3A_25 : i32
    %convert_element_type3A_27 = arith.extui %lt3A_26 : i1 to i32
    %cond3A_28 = arith.constant 0 : i32
    %cond3A_29 = arith.cmpi ne, %convert_element_type3A_27, %cond3A_28 : i32
    scf.if %cond3A_29 {
      %mul3A_157 = arith.constant 632 : i32
      %mul3A_158 = arith.muli %arg1, %mul3A_157 : i32
      %dma_wait3A_159 = arith.constant 0 : i32
      %dma_wait3A_160 = tpu.memref_slice %arg13[%mul3A_158, %dma_wait3A_159] : memref<10000x128xf32, #tpu.memory_space<vmem_shared>> -> memref<632x128xf32, #tpu.memory_space<vmem_shared>>
      tpu.wait_dma2 semaphore(%arg14 : memref<!tpu.dma_semaphore, #tpu.memory_space<semaphore_mem>>) src(%arg3 : memref<632x128xf32, #tpu.memory_space<hbm>>) dst(%dma_wait3A_160 : memref<632x128xf32, #tpu.memory_space<vmem_shared>>)
    } else {
    }
    %eq3A_30 = arith.constant 15 : i32
    %eq3A_31 = arith.cmpi eq, %arg1, %eq3A_30 : i32
    %convert_element_type3A_32 = arith.extui %eq3A_31 : i1 to i32
    %cond3A_33 = arith.constant 0 : i32
    %cond3A_34 = arith.cmpi ne, %convert_element_type3A_32, %cond3A_33 : i32
    scf.if %cond3A_34 {
      %mul3A_157 = arith.constant 632 : i32
      %mul3A_158 = arith.muli %arg1, %mul3A_157 : i32
      %dma_wait3A_159 = arith.constant 0 : i32
      %dma_wait3A_160 = tpu.memref_slice %arg13[%mul3A_158, %dma_wait3A_159] : memref<10000x128xf32, #tpu.memory_space<vmem_shared>> -> memref<520x128xf32, #tpu.memory_space<vmem_shared>>
      %dma_wait3A_161 = arith.constant 0 : i32
      %dma_wait3A_162 = arith.constant 0 : i32
      %dma_wait3A_163 = tpu.memref_slice %arg3[%dma_wait3A_161, %dma_wait3A_162] : memref<632x128xf32, #tpu.memory_space<hbm>> -> memref<520x128xf32, #tpu.memory_space<hbm>>
      tpu.wait_dma2 semaphore(%arg14 : memref<!tpu.dma_semaphore, #tpu.memory_space<semaphore_mem>>) src(%dma_wait3A_163 : memref<520x128xf32, #tpu.memory_space<hbm>>) dst(%dma_wait3A_160 : memref<520x128xf32, #tpu.memory_space<vmem_shared>>)
    } else {
    }
    %mul3A_35 = arith.constant 10000 : i32
    %mul3A_36 = arith.muli %add3A, %mul3A_35 : i32
    %dma_wait3A = tpu.memref_slice %arg4[%mul3A_36] : memref<320000xi32, #tpu.memory_space<hbm>> -> memref<10000xi32, #tpu.memory_space<hbm>>
    %dma_wait3A_37 = tpu.memref_slice %arg4[%mul3A_36] : memref<320000xi32, #tpu.memory_space<hbm>> -> memref<10000xi32, #tpu.memory_space<hbm>>
    tpu.wait_dma2 semaphore(%arg14 : memref<!tpu.dma_semaphore, #tpu.memory_space<semaphore_mem>>) src(%dma_wait3A_37 : memref<10000xi32, #tpu.memory_space<hbm>>) dst(%arg8 : memref<10000xi32, #tpu.memory_space<vmem>>)
    %dma_wait3A_38 = arith.constant 0 : i32
    %dma_wait3A_39 = arith.constant 0 : i32
    %dma_wait3A_40 = tpu.memref_slice %arg5[%add3A, %dma_wait3A_38, %dma_wait3A_39] : memref<32x125x80xi32, #tpu.memory_space<hbm>> -> memref<1x125x80xi32, #tpu.memory_space<hbm>>
    %dma_wait3A_41 = tpu.memref_squeeze %dma_wait3A_40 : memref<1x125x80xi32, #tpu.memory_space<hbm>> -> memref<125x80xi32, #tpu.memory_space<hbm>>
    %dma_wait3A_42 = arith.constant 0 : i32
    %dma_wait3A_43 = arith.constant 0 : i32
    %dma_wait3A_44 = tpu.memref_slice %arg5[%add3A, %dma_wait3A_42, %dma_wait3A_43] : memref<32x125x80xi32, #tpu.memory_space<hbm>> -> memref<1x125x80xi32, #tpu.memory_space<hbm>>
    %dma_wait3A_45 = tpu.memref_squeeze %dma_wait3A_44 : memref<1x125x80xi32, #tpu.memory_space<hbm>> -> memref<125x80xi32, #tpu.memory_space<hbm>>
    tpu.wait_dma2 semaphore(%arg14 : memref<!tpu.dma_semaphore, #tpu.memory_space<semaphore_mem>>) src(%dma_wait3A_45 : memref<125x80xi32, #tpu.memory_space<hbm>>) dst(%arg9 : memref<125x80xi32, #tpu.memory_space<vmem>>)
    %barrier3A = arith.constant 0 : index
    tpu.barrier barrier_id(%barrier3A)
    %dma_start3A_46 = arith.constant 0 : i32
    %dma_start3A_47 = tpu.memref_slice %arg8[%dma_start3A_46] : memref<10000xi32, #tpu.memory_space<vmem>> -> memref<80xi32, #tpu.memory_space<vmem>>
    %dma_start3A_48 = arith.constant 0 : i32
    %dma_start3A_49 = arith.constant 0 : i32
    %dma_start3A_50 = tpu.memref_slice %arg2[%dma_start3A_48, %dma_start3A_49] : memref<10000x128xf32, #tpu.memory_space<hbm>> -> memref<10000x128xf32, #tpu.memory_space<hbm>>
    tpu.enqueue_indirect_dma source(%dma_start3A_50 : memref<10000x128xf32, #tpu.memory_space<hbm>>) target(%arg10 : memref<80x128xf32, #tpu.memory_space<vmem>>) offsets(%dma_start3A_47 : memref<80xi32, #tpu.memory_space<vmem>>) semaphore(%arg14 : memref<!tpu.dma_semaphore, #tpu.memory_space<semaphore_mem>>)
    %dma_start3A_51 = arith.constant 80 : i32
    %dma_start3A_52 = tpu.memref_slice %arg8[%dma_start3A_51] : memref<10000xi32, #tpu.memory_space<vmem>> -> memref<80xi32, #tpu.memory_space<vmem>>
    %dma_start3A_53 = arith.constant 0 : i32
    %dma_start3A_54 = arith.constant 0 : i32
    %dma_start3A_55 = tpu.memref_slice %arg2[%dma_start3A_53, %dma_start3A_54] : memref<10000x128xf32, #tpu.memory_space<hbm>> -> memref<10000x128xf32, #tpu.memory_space<hbm>>
    tpu.enqueue_indirect_dma source(%dma_start3A_55 : memref<10000x128xf32, #tpu.memory_space<hbm>>) target(%arg11 : memref<80x128xf32, #tpu.memory_space<vmem>>) offsets(%dma_start3A_52 : memref<80xi32, #tpu.memory_space<vmem>>) semaphore(%arg14 : memref<!tpu.dma_semaphore, #tpu.memory_space<semaphore_mem>>)
    %scan3A_56 = arith.constant 0 : i32
    %scan3A_57 = arith.constant 61 : i32
    %scan3A_58 = arith.addi %scan3A_56, %scan3A_57 : i32
    %scan3A_59 = arith.constant 1 : i32
    scf.for %scan3A_157 = %scan3A_56 to %scan3A_58 step %scan3A_59  : i32 {
      %mul3A_158 = arith.constant 2 : i32
      %mul3A_159 = arith.muli %scan3A_157, %mul3A_158 : i32
      %add3A_160 = arith.constant 0 : i32
      %add3A_161 = arith.addi %add3A_160, %mul3A_159 : i32
      %get3A_162 = arith.index_cast %add3A_161 : i32 to index
      %get3A_163 = arith.constant 0 : index
      %get3A_164 = tpu.vector_load %arg9[%get3A_162, %get3A_163] {strides = array<i32>} : memref<125x80xi32, #tpu.memory_space<vmem>>, vector<16xi32>,
      tpu.vector_store_idx %arg12[%get3A_164], %broadcast_in_dim3A_1 {add = true} : memref<10000xf32, #tpu.memory_space<vmem>>[vector<16xi32>], vector<16xf32>,
      %get3A_165 = arith.index_cast %add3A_161 : i32 to index
      %get3A_166 = arith.constant 16 : index
      %get3A_167 = tpu.vector_load %arg9[%get3A_165, %get3A_166] {strides = array<i32>} : memref<125x80xi32, #tpu.memory_space<vmem>>, vector<16xi32>,
      tpu.vector_store_idx %arg12[%get3A_167], %broadcast_in_dim3A_1 {add = true} : memref<10000xf32, #tpu.memory_space<vmem>>[vector<16xi32>], vector<16xf32>,
      %get3A_168 = arith.index_cast %add3A_161 : i32 to index
      %get3A_169 = arith.constant 32 : index
      %get3A_170 = tpu.vector_load %arg9[%get3A_168, %get3A_169] {strides = array<i32>} : memref<125x80xi32, #tpu.memory_space<vmem>>, vector<16xi32>,
      tpu.vector_store_idx %arg12[%get3A_170], %broadcast_in_dim3A_1 {add = true} : memref<10000xf32, #tpu.memory_space<vmem>>[vector<16xi32>], vector<16xf32>,
      %get3A_171 = arith.index_cast %add3A_161 : i32 to index
      %get3A_172 = arith.constant 48 : index
      %get3A_173 = tpu.vector_load %arg9[%get3A_171, %get3A_172] {strides = array<i32>} : memref<125x80xi32, #tpu.memory_space<vmem>>, vector<16xi32>,
      tpu.vector_store_idx %arg12[%get3A_173], %broadcast_in_dim3A_1 {add = true} : memref<10000xf32, #tpu.memory_space<vmem>>[vector<16xi32>], vector<16xf32>,
      %get3A_174 = arith.index_cast %add3A_161 : i32 to index
      %get3A_175 = arith.constant 64 : index
      %get3A_176 = tpu.vector_load %arg9[%get3A_174, %get3A_175] {strides = array<i32>} : memref<125x80xi32, #tpu.memory_space<vmem>>, vector<16xi32>,
      tpu.vector_store_idx %arg12[%get3A_176], %broadcast_in_dim3A_1 {add = true} : memref<10000xf32, #tpu.memory_space<vmem>>[vector<16xi32>], vector<16xf32>,
      %mul3A_177 = arith.constant 80 : i32
      %mul3A_178 = arith.muli %add3A_161, %mul3A_177 : i32
      %dma_wait3A_179 = tpu.memref_slice %arg8[%mul3A_178] : memref<10000xi32, #tpu.memory_space<vmem>> -> memref<80xi32, #tpu.memory_space<vmem>>
      %dma_wait3A_180 = arith.constant 0 : i32
      %dma_wait3A_181 = arith.constant 0 : i32
      %dma_wait3A_182 = tpu.memref_slice %arg2[%dma_wait3A_180, %dma_wait3A_181] : memref<10000x128xf32, #tpu.memory_space<hbm>> -> memref<10000x128xf32, #tpu.memory_space<hbm>>
      tpu.wait_indirect_dma semaphore(%arg14 : memref<!tpu.dma_semaphore, #tpu.memory_space<semaphore_mem>>) src(%dma_wait3A_182 : memref<10000x128xf32, #tpu.memory_space<hbm>>) dst(%arg10 : memref<80x128xf32, #tpu.memory_space<vmem>>)
      "tpu.region"() ({
        %run_scoped3A_226 = tpu.sem_alloc : memref<!tpu.dma_semaphore, #tpu.memory_space<semaphore_mem>>
        %dma_start3A_227 = arith.constant 0 : i32
        %dma_start3A_228 = tpu.memref_slice %arg9[%add3A_161, %dma_start3A_227] : memref<125x80xi32, #tpu.memory_space<vmem>> -> memref<1x80xi32, #tpu.memory_space<vmem>>
        %dma_start3A_229 = tpu.memref_squeeze %dma_start3A_228 : memref<1x80xi32, #tpu.memory_space<vmem>> -> memref<80xi32, #tpu.memory_space<vmem>>
        %dma_start3A_230 = arith.constant 0 : i32
        %dma_start3A_231 = arith.constant 0 : i32
        %dma_start3A_232 = tpu.memref_slice %arg13[%dma_start3A_230, %dma_start3A_231] : memref<10000x128xf32, #tpu.memory_space<vmem_shared>> -> memref<10000x128xf32, #tpu.memory_space<vmem_shared>>
        tpu.enqueue_indirect_dma source(%arg10 : memref<80x128xf32, #tpu.memory_space<vmem>>) target(%dma_start3A_232 : memref<10000x128xf32, #tpu.memory_space<vmem_shared>>) offsets(%dma_start3A_229 : memref<80xi32, #tpu.memory_space<vmem>>) semaphore(%run_scoped3A_226 : memref<!tpu.dma_semaphore, #tpu.memory_space<semaphore_mem>>) {add = true}
        %dma_wait3A_233 = arith.constant 0 : i32
        %dma_wait3A_234 = tpu.memref_slice %arg9[%add3A_161, %dma_wait3A_233] : memref<125x80xi32, #tpu.memory_space<vmem>> -> memref<1x80xi32, #tpu.memory_space<vmem>>
        %dma_wait3A_235 = tpu.memref_squeeze %dma_wait3A_234 : memref<1x80xi32, #tpu.memory_space<vmem>> -> memref<80xi32, #tpu.memory_space<vmem>>
        %dma_wait3A_236 = arith.constant 0 : i32
        %dma_wait3A_237 = arith.constant 0 : i32
        %dma_wait3A_238 = tpu.memref_slice %arg13[%dma_wait3A_236, %dma_wait3A_237] : memref<10000x128xf32, #tpu.memory_space<vmem_shared>> -> memref<10000x128xf32, #tpu.memory_space<vmem_shared>>
        tpu.wait_indirect_dma semaphore(%run_scoped3A_226 : memref<!tpu.dma_semaphore, #tpu.memory_space<semaphore_mem>>) src(%arg10 : memref<80x128xf32, #tpu.memory_space<vmem>>) dst(%dma_wait3A_238 : memref<10000x128xf32, #tpu.memory_space<vmem_shared>>)
        tpu.yield
      }) : () -> ()
      %add3A_183 = arith.constant 2 : i32
      %add3A_184 = arith.addi %add3A_161, %add3A_183 : i32
      %mul3A_185 = arith.constant 80 : i32
      %mul3A_186 = arith.muli %add3A_184, %mul3A_185 : i32
      %dma_start3A_187 = tpu.memref_slice %arg8[%mul3A_186] : memref<10000xi32, #tpu.memory_space<vmem>> -> memref<80xi32, #tpu.memory_space<vmem>>
      %dma_start3A_188 = arith.constant 0 : i32
      %dma_start3A_189 = arith.constant 0 : i32
      %dma_start3A_190 = tpu.memref_slice %arg2[%dma_start3A_188, %dma_start3A_189] : memref<10000x128xf32, #tpu.memory_space<hbm>> -> memref<10000x128xf32, #tpu.memory_space<hbm>>
      tpu.enqueue_indirect_dma source(%dma_start3A_190 : memref<10000x128xf32, #tpu.memory_space<hbm>>) target(%arg10 : memref<80x128xf32, #tpu.memory_space<vmem>>) offsets(%dma_start3A_187 : memref<80xi32, #tpu.memory_space<vmem>>) semaphore(%arg14 : memref<!tpu.dma_semaphore, #tpu.memory_space<semaphore_mem>>)
      %add3A_191 = arith.constant 1 : i32
      %add3A_192 = arith.addi %add3A_161, %add3A_191 : i32
      %get3A_193 = arith.index_cast %add3A_192 : i32 to index
      %get3A_194 = arith.constant 0 : index
      %get3A_195 = tpu.vector_load %arg9[%get3A_193, %get3A_194] {strides = array<i32>} : memref<125x80xi32, #tpu.memory_space<vmem>>, vector<16xi32>,
      tpu.vector_store_idx %arg12[%get3A_195], %broadcast_in_dim3A_1 {add = true} : memref<10000xf32, #tpu.memory_space<vmem>>[vector<16xi32>], vector<16xf32>,
      %get3A_196 = arith.index_cast %add3A_192 : i32 to index
      %get3A_197 = arith.constant 16 : index
      %get3A_198 = tpu.vector_load %arg9[%get3A_196, %get3A_197] {strides = array<i32>} : memref<125x80xi32, #tpu.memory_space<vmem>>, vector<16xi32>,
      tpu.vector_store_idx %arg12[%get3A_198], %broadcast_in_dim3A_1 {add = true} : memref<10000xf32, #tpu.memory_space<vmem>>[vector<16xi32>], vector<16xf32>,
      %get3A_199 = arith.index_cast %add3A_192 : i32 to index
      %get3A_200 = arith.constant 32 : index
      %get3A_201 = tpu.vector_load %arg9[%get3A_199, %get3A_200] {strides = array<i32>} : memref<125x80xi32, #tpu.memory_space<vmem>>, vector<16xi32>,
      tpu.vector_store_idx %arg12[%get3A_201], %broadcast_in_dim3A_1 {add = true} : memref<10000xf32, #tpu.memory_space<vmem>>[vector<16xi32>], vector<16xf32>,
      %get3A_202 = arith.index_cast %add3A_192 : i32 to index
      %get3A_203 = arith.constant 48 : index
      %get3A_204 = tpu.vector_load %arg9[%get3A_202, %get3A_203] {strides = array<i32>} : memref<125x80xi32, #tpu.memory_space<vmem>>, vector<16xi32>,
      tpu.vector_store_idx %arg12[%get3A_204], %broadcast_in_dim3A_1 {add = true} : memref<10000xf32, #tpu.memory_space<vmem>>[vector<16xi32>], vector<16xf32>,
      %get3A_205 = arith.index_cast %add3A_192 : i32 to index
      %get3A_206 = arith.constant 64 : index
      %get3A_207 = tpu.vector_load %arg9[%get3A_205, %get3A_206] {strides = array<i32>} : memref<125x80xi32, #tpu.memory_space<vmem>>, vector<16xi32>,
      tpu.vector_store_idx %arg12[%get3A_207], %broadcast_in_dim3A_1 {add = true} : memref<10000xf32, #tpu.memory_space<vmem>>[vector<16xi32>], vector<16xf32>,
      %add3A_208 = arith.constant 1 : i32
      %add3A_209 = arith.addi %add3A_161, %add3A_208 : i32
      %mul3A_210 = arith.constant 80 : i32
      %mul3A_211 = arith.muli %add3A_209, %mul3A_210 : i32
      %dma_wait3A_212 = tpu.memref_slice %arg8[%mul3A_211] : memref<10000xi32, #tpu.memory_space<vmem>> -> memref<80xi32, #tpu.memory_space<vmem>>
      %dma_wait3A_213 = arith.constant 0 : i32
      %dma_wait3A_214 = arith.constant 0 : i32
      %dma_wait3A_215 = tpu.memref_slice %arg2[%dma_wait3A_213, %dma_wait3A_214] : memref<10000x128xf32, #tpu.memory_space<hbm>> -> memref<10000x128xf32, #tpu.memory_space<hbm>>
      tpu.wait_indirect_dma semaphore(%arg14 : memref<!tpu.dma_semaphore, #tpu.memory_space<semaphore_mem>>) src(%dma_wait3A_215 : memref<10000x128xf32, #tpu.memory_space<hbm>>) dst(%arg11 : memref<80x128xf32, #tpu.memory_space<vmem>>)
      %add3A_216 = arith.constant 1 : i32
      %add3A_217 = arith.addi %add3A_161, %add3A_216 : i32
      "tpu.region"() ({
        %run_scoped3A_226 = tpu.sem_alloc : memref<!tpu.dma_semaphore, #tpu.memory_space<semaphore_mem>>
        %dma_start3A_227 = arith.constant 0 : i32
        %dma_start3A_228 = tpu.memref_slice %arg9[%add3A_217, %dma_start3A_227] : memref<125x80xi32, #tpu.memory_space<vmem>> -> memref<1x80xi32, #tpu.memory_space<vmem>>
        %dma_start3A_229 = tpu.memref_squeeze %dma_start3A_228 : memref<1x80xi32, #tpu.memory_space<vmem>> -> memref<80xi32, #tpu.memory_space<vmem>>
        %dma_start3A_230 = arith.constant 0 : i32
        %dma_start3A_231 = arith.constant 0 : i32
        %dma_start3A_232 = tpu.memref_slice %arg13[%dma_start3A_230, %dma_start3A_231] : memref<10000x128xf32, #tpu.memory_space<vmem_shared>> -> memref<10000x128xf32, #tpu.memory_space<vmem_shared>>
        tpu.enqueue_indirect_dma source(%arg11 : memref<80x128xf32, #tpu.memory_space<vmem>>) target(%dma_start3A_232 : memref<10000x128xf32, #tpu.memory_space<vmem_shared>>) offsets(%dma_start3A_229 : memref<80xi32, #tpu.memory_space<vmem>>) semaphore(%run_scoped3A_226 : memref<!tpu.dma_semaphore, #tpu.memory_space<semaphore_mem>>) {add = true}
        %dma_wait3A_233 = arith.constant 0 : i32
        %dma_wait3A_234 = tpu.memref_slice %arg9[%add3A_217, %dma_wait3A_233] : memref<125x80xi32, #tpu.memory_space<vmem>> -> memref<1x80xi32, #tpu.memory_space<vmem>>
        %dma_wait3A_235 = tpu.memref_squeeze %dma_wait3A_234 : memref<1x80xi32, #tpu.memory_space<vmem>> -> memref<80xi32, #tpu.memory_space<vmem>>
        %dma_wait3A_236 = arith.constant 0 : i32
        %dma_wait3A_237 = arith.constant 0 : i32
        %dma_wait3A_238 = tpu.memref_slice %arg13[%dma_wait3A_236, %dma_wait3A_237] : memref<10000x128xf32, #tpu.memory_space<vmem_shared>> -> memref<10000x128xf32, #tpu.memory_space<vmem_shared>>
        tpu.wait_indirect_dma semaphore(%run_scoped3A_226 : memref<!tpu.dma_semaphore, #tpu.memory_space<semaphore_mem>>) src(%arg11 : memref<80x128xf32, #tpu.memory_space<vmem>>) dst(%dma_wait3A_238 : memref<10000x128xf32, #tpu.memory_space<vmem_shared>>)
        tpu.yield
      }) : () -> ()
      %add3A_218 = arith.constant 3 : i32
      %add3A_219 = arith.addi %add3A_161, %add3A_218 : i32
      %mul3A_220 = arith.constant 80 : i32
      %mul3A_221 = arith.muli %add3A_219, %mul3A_220 : i32
      %dma_start3A_222 = tpu.memref_slice %arg8[%mul3A_221] : memref<10000xi32, #tpu.memory_space<vmem>> -> memref<80xi32, #tpu.memory_space<vmem>>
      %dma_start3A_223 = arith.constant 0 : i32
      %dma_start3A_224 = arith.constant 0 : i32
      %dma_start3A_225 = tpu.memref_slice %arg2[%dma_start3A_223, %dma_start3A_224] : memref<10000x128xf32, #tpu.memory_space<hbm>> -> memref<10000x128xf32, #tpu.memory_space<hbm>>
      tpu.enqueue_indirect_dma source(%dma_start3A_225 : memref<10000x128xf32, #tpu.memory_space<hbm>>) target(%arg11 : memref<80x128xf32, #tpu.memory_space<vmem>>) offsets(%dma_start3A_222 : memref<80xi32, #tpu.memory_space<vmem>>) semaphore(%arg14 : memref<!tpu.dma_semaphore, #tpu.memory_space<semaphore_mem>>)
    }
    %scan3A_60 = arith.constant 61 : i32
    %get3A = arith.constant 122 : i32
    %get3A_61 = arith.index_cast %get3A : i32 to index
    %get3A_62 = arith.constant 0 : index
    %get3A_63 = tpu.vector_load %arg9[%get3A_61, %get3A_62] {strides = array<i32>} : memref<125x80xi32, #tpu.memory_space<vmem>>, vector<16xi32>,
    tpu.vector_store_idx %arg12[%get3A_63], %broadcast_in_dim3A_1 {add = true} : memref<10000xf32, #tpu.memory_space<vmem>>[vector<16xi32>], vector<16xf32>,
    %get3A_64 = arith.constant 122 : i32
    %get3A_65 = arith.index_cast %get3A_64 : i32 to index
    %get3A_66 = arith.constant 16 : index
    %get3A_67 = tpu.vector_load %arg9[%get3A_65, %get3A_66] {strides = array<i32>} : memref<125x80xi32, #tpu.memory_space<vmem>>, vector<16xi32>,
    tpu.vector_store_idx %arg12[%get3A_67], %broadcast_in_dim3A_1 {add = true} : memref<10000xf32, #tpu.memory_space<vmem>>[vector<16xi32>], vector<16xf32>,
    %get3A_68 = arith.constant 122 : i32
    %get3A_69 = arith.index_cast %get3A_68 : i32 to index
    %get3A_70 = arith.constant 32 : index
    %get3A_71 = tpu.vector_load %arg9[%get3A_69, %get3A_70] {strides = array<i32>} : memref<125x80xi32, #tpu.memory_space<vmem>>, vector<16xi32>,
    tpu.vector_store_idx %arg12[%get3A_71], %broadcast_in_dim3A_1 {add = true} : memref<10000xf32, #tpu.memory_space<vmem>>[vector<16xi32>], vector<16xf32>,
    %get3A_72 = arith.constant 122 : i32
    %get3A_73 = arith.index_cast %get3A_72 : i32 to index
    %get3A_74 = arith.constant 48 : index
    %get3A_75 = tpu.vector_load %arg9[%get3A_73, %get3A_74] {strides = array<i32>} : memref<125x80xi32, #tpu.memory_space<vmem>>, vector<16xi32>,
    tpu.vector_store_idx %arg12[%get3A_75], %broadcast_in_dim3A_1 {add = true} : memref<10000xf32, #tpu.memory_space<vmem>>[vector<16xi32>], vector<16xf32>,
    %get3A_76 = arith.constant 122 : i32
    %get3A_77 = arith.index_cast %get3A_76 : i32 to index
    %get3A_78 = arith.constant 64 : index
    %get3A_79 = tpu.vector_load %arg9[%get3A_77, %get3A_78] {strides = array<i32>} : memref<125x80xi32, #tpu.memory_space<vmem>>, vector<16xi32>,
    tpu.vector_store_idx %arg12[%get3A_79], %broadcast_in_dim3A_1 {add = true} : memref<10000xf32, #tpu.memory_space<vmem>>[vector<16xi32>], vector<16xf32>,
    %dma_wait3A_80 = arith.constant 9760 : i32
    %dma_wait3A_81 = tpu.memref_slice %arg8[%dma_wait3A_80] : memref<10000xi32, #tpu.memory_space<vmem>> -> memref<80xi32, #tpu.memory_space<vmem>>
    %dma_wait3A_82 = arith.constant 0 : i32
    %dma_wait3A_83 = arith.constant 0 : i32
    %dma_wait3A_84 = tpu.memref_slice %arg2[%dma_wait3A_82, %dma_wait3A_83] : memref<10000x128xf32, #tpu.memory_space<hbm>> -> memref<10000x128xf32, #tpu.memory_space<hbm>>
    tpu.wait_indirect_dma semaphore(%arg14 : memref<!tpu.dma_semaphore, #tpu.memory_space<semaphore_mem>>) src(%dma_wait3A_84 : memref<10000x128xf32, #tpu.memory_space<hbm>>) dst(%arg10 : memref<80x128xf32, #tpu.memory_space<vmem>>)
    %run_scoped3A = arith.constant 122 : i32
    "tpu.region"() ({
      %run_scoped3A_157 = tpu.sem_alloc : memref<!tpu.dma_semaphore, #tpu.memory_space<semaphore_mem>>
      %dma_start3A_158 = arith.constant 0 : i32
      %dma_start3A_159 = tpu.memref_slice %arg9[%run_scoped3A, %dma_start3A_158] : memref<125x80xi32, #tpu.memory_space<vmem>> -> memref<1x80xi32, #tpu.memory_space<vmem>>
      %dma_start3A_160 = tpu.memref_squeeze %dma_start3A_159 : memref<1x80xi32, #tpu.memory_space<vmem>> -> memref<80xi32, #tpu.memory_space<vmem>>
      %dma_start3A_161 = arith.constant 0 : i32
      %dma_start3A_162 = arith.constant 0 : i32
      %dma_start3A_163 = tpu.memref_slice %arg13[%dma_start3A_161, %dma_start3A_162] : memref<10000x128xf32, #tpu.memory_space<vmem_shared>> -> memref<10000x128xf32, #tpu.memory_space<vmem_shared>>
      tpu.enqueue_indirect_dma source(%arg10 : memref<80x128xf32, #tpu.memory_space<vmem>>) target(%dma_start3A_163 : memref<10000x128xf32, #tpu.memory_space<vmem_shared>>) offsets(%dma_start3A_160 : memref<80xi32, #tpu.memory_space<vmem>>) semaphore(%run_scoped3A_157 : memref<!tpu.dma_semaphore, #tpu.memory_space<semaphore_mem>>) {add = true}
      %dma_wait3A_164 = arith.constant 0 : i32
      %dma_wait3A_165 = tpu.memref_slice %arg9[%run_scoped3A, %dma_wait3A_164] : memref<125x80xi32, #tpu.memory_space<vmem>> -> memref<1x80xi32, #tpu.memory_space<vmem>>
      %dma_wait3A_166 = tpu.memref_squeeze %dma_wait3A_165 : memref<1x80xi32, #tpu.memory_space<vmem>> -> memref<80xi32, #tpu.memory_space<vmem>>
      %dma_wait3A_167 = arith.constant 0 : i32
      %dma_wait3A_168 = arith.constant 0 : i32
      %dma_wait3A_169 = tpu.memref_slice %arg13[%dma_wait3A_167, %dma_wait3A_168] : memref<10000x128xf32, #tpu.memory_space<vmem_shared>> -> memref<10000x128xf32, #tpu.memory_space<vmem_shared>>
      tpu.wait_indirect_dma semaphore(%run_scoped3A_157 : memref<!tpu.dma_semaphore, #tpu.memory_space<semaphore_mem>>) src(%arg10 : memref<80x128xf32, #tpu.memory_space<vmem>>) dst(%dma_wait3A_169 : memref<10000x128xf32, #tpu.memory_space<vmem_shared>>)
      tpu.yield
    }) : () -> ()
    %dma_start3A_85 = arith.constant 9920 : i32
    %dma_start3A_86 = tpu.memref_slice %arg8[%dma_start3A_85] : memref<10000xi32, #tpu.memory_space<vmem>> -> memref<80xi32, #tpu.memory_space<vmem>>
    %dma_start3A_87 = arith.constant 0 : i32
    %dma_start3A_88 = arith.constant 0 : i32
    %dma_start3A_89 = tpu.memref_slice %arg2[%dma_start3A_87, %dma_start3A_88] : memref<10000x128xf32, #tpu.memory_space<hbm>> -> memref<10000x128xf32, #tpu.memory_space<hbm>>
    tpu.enqueue_indirect_dma source(%dma_start3A_89 : memref<10000x128xf32, #tpu.memory_space<hbm>>) target(%arg10 : memref<80x128xf32, #tpu.memory_space<vmem>>) offsets(%dma_start3A_86 : memref<80xi32, #tpu.memory_space<vmem>>) semaphore(%arg14 : memref<!tpu.dma_semaphore, #tpu.memory_space<semaphore_mem>>)
    %get3A_90 = arith.constant 123 : i32
    %get3A_91 = arith.index_cast %get3A_90 : i32 to index
    %get3A_92 = arith.constant 0 : index
    %get3A_93 = tpu.vector_load %arg9[%get3A_91, %get3A_92] {strides = array<i32>} : memref<125x80xi32, #tpu.memory_space<vmem>>, vector<16xi32>,
    tpu.vector_store_idx %arg12[%get3A_93], %broadcast_in_dim3A_1 {add = true} : memref<10000xf32, #tpu.memory_space<vmem>>[vector<16xi32>], vector<16xf32>,
    %get3A_94 = arith.constant 123 : i32
    %get3A_95 = arith.index_cast %get3A_94 : i32 to index
    %get3A_96 = arith.constant 16 : index
    %get3A_97 = tpu.vector_load %arg9[%get3A_95, %get3A_96] {strides = array<i32>} : memref<125x80xi32, #tpu.memory_space<vmem>>, vector<16xi32>,
    tpu.vector_store_idx %arg12[%get3A_97], %broadcast_in_dim3A_1 {add = true} : memref<10000xf32, #tpu.memory_space<vmem>>[vector<16xi32>], vector<16xf32>,
    %get3A_98 = arith.constant 123 : i32
    %get3A_99 = arith.index_cast %get3A_98 : i32 to index
    %get3A_100 = arith.constant 32 : index
    %get3A_101 = tpu.vector_load %arg9[%get3A_99, %get3A_100] {strides = array<i32>} : memref<125x80xi32, #tpu.memory_space<vmem>>, vector<16xi32>,
    tpu.vector_store_idx %arg12[%get3A_101], %broadcast_in_dim3A_1 {add = true} : memref<10000xf32, #tpu.memory_space<vmem>>[vector<16xi32>], vector<16xf32>,
    %get3A_102 = arith.constant 123 : i32
    %get3A_103 = arith.index_cast %get3A_102 : i32 to index
    %get3A_104 = arith.constant 48 : index
    %get3A_105 = tpu.vector_load %arg9[%get3A_103, %get3A_104] {strides = array<i32>} : memref<125x80xi32, #tpu.memory_space<vmem>>, vector<16xi32>,
    tpu.vector_store_idx %arg12[%get3A_105], %broadcast_in_dim3A_1 {add = true} : memref<10000xf32, #tpu.memory_space<vmem>>[vector<16xi32>], vector<16xf32>,
    %get3A_106 = arith.constant 123 : i32
    %get3A_107 = arith.index_cast %get3A_106 : i32 to index
    %get3A_108 = arith.constant 64 : index
    %get3A_109 = tpu.vector_load %arg9[%get3A_107, %get3A_108] {strides = array<i32>} : memref<125x80xi32, #tpu.memory_space<vmem>>, vector<16xi32>,
    tpu.vector_store_idx %arg12[%get3A_109], %broadcast_in_dim3A_1 {add = true} : memref<10000xf32, #tpu.memory_space<vmem>>[vector<16xi32>], vector<16xf32>,
    %dma_wait3A_110 = arith.constant 9840 : i32
    %dma_wait3A_111 = tpu.memref_slice %arg8[%dma_wait3A_110] : memref<10000xi32, #tpu.memory_space<vmem>> -> memref<80xi32, #tpu.memory_space<vmem>>
    %dma_wait3A_112 = arith.constant 0 : i32
    %dma_wait3A_113 = arith.constant 0 : i32
    %dma_wait3A_114 = tpu.memref_slice %arg2[%dma_wait3A_112, %dma_wait3A_113] : memref<10000x128xf32, #tpu.memory_space<hbm>> -> memref<10000x128xf32, #tpu.memory_space<hbm>>
    tpu.wait_indirect_dma semaphore(%arg14 : memref<!tpu.dma_semaphore, #tpu.memory_space<semaphore_mem>>) src(%dma_wait3A_114 : memref<10000x128xf32, #tpu.memory_space<hbm>>) dst(%arg11 : memref<80x128xf32, #tpu.memory_space<vmem>>)
    %run_scoped3A_115 = arith.constant 123 : i32
    "tpu.region"() ({
      %run_scoped3A_157 = tpu.sem_alloc : memref<!tpu.dma_semaphore, #tpu.memory_space<semaphore_mem>>
      %dma_start3A_158 = arith.constant 0 : i32
      %dma_start3A_159 = tpu.memref_slice %arg9[%run_scoped3A_115, %dma_start3A_158] : memref<125x80xi32, #tpu.memory_space<vmem>> -> memref<1x80xi32, #tpu.memory_space<vmem>>
      %dma_start3A_160 = tpu.memref_squeeze %dma_start3A_159 : memref<1x80xi32, #tpu.memory_space<vmem>> -> memref<80xi32, #tpu.memory_space<vmem>>
      %dma_start3A_161 = arith.constant 0 : i32
      %dma_start3A_162 = arith.constant 0 : i32
      %dma_start3A_163 = tpu.memref_slice %arg13[%dma_start3A_161, %dma_start3A_162] : memref<10000x128xf32, #tpu.memory_space<vmem_shared>> -> memref<10000x128xf32, #tpu.memory_space<vmem_shared>>
      tpu.enqueue_indirect_dma source(%arg11 : memref<80x128xf32, #tpu.memory_space<vmem>>) target(%dma_start3A_163 : memref<10000x128xf32, #tpu.memory_space<vmem_shared>>) offsets(%dma_start3A_160 : memref<80xi32, #tpu.memory_space<vmem>>) semaphore(%run_scoped3A_157 : memref<!tpu.dma_semaphore, #tpu.memory_space<semaphore_mem>>) {add = true}
      %dma_wait3A_164 = arith.constant 0 : i32
      %dma_wait3A_165 = tpu.memref_slice %arg9[%run_scoped3A_115, %dma_wait3A_164] : memref<125x80xi32, #tpu.memory_space<vmem>> -> memref<1x80xi32, #tpu.memory_space<vmem>>
      %dma_wait3A_166 = tpu.memref_squeeze %dma_wait3A_165 : memref<1x80xi32, #tpu.memory_space<vmem>> -> memref<80xi32, #tpu.memory_space<vmem>>
      %dma_wait3A_167 = arith.constant 0 : i32
      %dma_wait3A_168 = arith.constant 0 : i32
      %dma_wait3A_169 = tpu.memref_slice %arg13[%dma_wait3A_167, %dma_wait3A_168] : memref<10000x128xf32, #tpu.memory_space<vmem_shared>> -> memref<10000x128xf32, #tpu.memory_space<vmem_shared>>
      tpu.wait_indirect_dma semaphore(%run_scoped3A_157 : memref<!tpu.dma_semaphore, #tpu.memory_space<semaphore_mem>>) src(%arg11 : memref<80x128xf32, #tpu.memory_space<vmem>>) dst(%dma_wait3A_169 : memref<10000x128xf32, #tpu.memory_space<vmem_shared>>)
      tpu.yield
    }) : () -> ()
    %get3A_116 = arith.constant 124 : i32
    %get3A_117 = arith.index_cast %get3A_116 : i32 to index
    %get3A_118 = arith.constant 0 : index
    %get3A_119 = tpu.vector_load %arg9[%get3A_117, %get3A_118] {strides = array<i32>} : memref<125x80xi32, #tpu.memory_space<vmem>>, vector<16xi32>,
    tpu.vector_store_idx %arg12[%get3A_119], %broadcast_in_dim3A_1 {add = true} : memref<10000xf32, #tpu.memory_space<vmem>>[vector<16xi32>], vector<16xf32>,
    %get3A_120 = arith.constant 124 : i32
    %get3A_121 = arith.index_cast %get3A_120 : i32 to index
    %get3A_122 = arith.constant 16 : index
    %get3A_123 = tpu.vector_load %arg9[%get3A_121, %get3A_122] {strides = array<i32>} : memref<125x80xi32, #tpu.memory_space<vmem>>, vector<16xi32>,
    tpu.vector_store_idx %arg12[%get3A_123], %broadcast_in_dim3A_1 {add = true} : memref<10000xf32, #tpu.memory_space<vmem>>[vector<16xi32>], vector<16xf32>,
    %get3A_124 = arith.constant 124 : i32
    %get3A_125 = arith.index_cast %get3A_124 : i32 to index
    %get3A_126 = arith.constant 32 : index
    %get3A_127 = tpu.vector_load %arg9[%get3A_125, %get3A_126] {strides = array<i32>} : memref<125x80xi32, #tpu.memory_space<vmem>>, vector<16xi32>,
    tpu.vector_store_idx %arg12[%get3A_127], %broadcast_in_dim3A_1 {add = true} : memref<10000xf32, #tpu.memory_space<vmem>>[vector<16xi32>], vector<16xf32>,
    %get3A_128 = arith.constant 124 : i32
    %get3A_129 = arith.index_cast %get3A_128 : i32 to index
    %get3A_130 = arith.constant 48 : index
    %get3A_131 = tpu.vector_load %arg9[%get3A_129, %get3A_130] {strides = array<i32>} : memref<125x80xi32, #tpu.memory_space<vmem>>, vector<16xi32>,
    tpu.vector_store_idx %arg12[%get3A_131], %broadcast_in_dim3A_1 {add = true} : memref<10000xf32, #tpu.memory_space<vmem>>[vector<16xi32>], vector<16xf32>,
    %get3A_132 = arith.constant 124 : i32
    %get3A_133 = arith.index_cast %get3A_132 : i32 to index
    %get3A_134 = arith.constant 64 : index
    %get3A_135 = tpu.vector_load %arg9[%get3A_133, %get3A_134] {strides = array<i32>} : memref<125x80xi32, #tpu.memory_space<vmem>>, vector<16xi32>,
    tpu.vector_store_idx %arg12[%get3A_135], %broadcast_in_dim3A_1 {add = true} : memref<10000xf32, #tpu.memory_space<vmem>>[vector<16xi32>], vector<16xf32>,
    %dma_wait3A_136 = arith.constant 9920 : i32
    %dma_wait3A_137 = tpu.memref_slice %arg8[%dma_wait3A_136] : memref<10000xi32, #tpu.memory_space<vmem>> -> memref<80xi32, #tpu.memory_space<vmem>>
    %dma_wait3A_138 = arith.constant 0 : i32
    %dma_wait3A_139 = arith.constant 0 : i32
    %dma_wait3A_140 = tpu.memref_slice %arg2[%dma_wait3A_138, %dma_wait3A_139] : memref<10000x128xf32, #tpu.memory_space<hbm>> -> memref<10000x128xf32, #tpu.memory_space<hbm>>
    tpu.wait_indirect_dma semaphore(%arg14 : memref<!tpu.dma_semaphore, #tpu.memory_space<semaphore_mem>>) src(%dma_wait3A_140 : memref<10000x128xf32, #tpu.memory_space<hbm>>) dst(%arg10 : memref<80x128xf32, #tpu.memory_space<vmem>>)
    %run_scoped3A_141 = arith.constant 124 : i32
    "tpu.region"() ({
      %run_scoped3A_157 = tpu.sem_alloc : memref<!tpu.dma_semaphore, #tpu.memory_space<semaphore_mem>>
      %dma_start3A_158 = arith.constant 0 : i32
      %dma_start3A_159 = tpu.memref_slice %arg9[%run_scoped3A_141, %dma_start3A_158] : memref<125x80xi32, #tpu.memory_space<vmem>> -> memref<1x80xi32, #tpu.memory_space<vmem>>
      %dma_start3A_160 = tpu.memref_squeeze %dma_start3A_159 : memref<1x80xi32, #tpu.memory_space<vmem>> -> memref<80xi32, #tpu.memory_space<vmem>>
      %dma_start3A_161 = arith.constant 0 : i32
      %dma_start3A_162 = arith.constant 0 : i32
      %dma_start3A_163 = tpu.memref_slice %arg13[%dma_start3A_161, %dma_start3A_162] : memref<10000x128xf32, #tpu.memory_space<vmem_shared>> -> memref<10000x128xf32, #tpu.memory_space<vmem_shared>>
      tpu.enqueue_indirect_dma source(%arg10 : memref<80x128xf32, #tpu.memory_space<vmem>>) target(%dma_start3A_163 : memref<10000x128xf32, #tpu.memory_space<vmem_shared>>) offsets(%dma_start3A_160 : memref<80xi32, #tpu.memory_space<vmem>>) semaphore(%run_scoped3A_157 : memref<!tpu.dma_semaphore, #tpu.memory_space<semaphore_mem>>) {add = true}
      %dma_wait3A_164 = arith.constant 0 : i32
      %dma_wait3A_165 = tpu.memref_slice %arg9[%run_scoped3A_141, %dma_wait3A_164] : memref<125x80xi32, #tpu.memory_space<vmem>> -> memref<1x80xi32, #tpu.memory_space<vmem>>
      %dma_wait3A_166 = tpu.memref_squeeze %dma_wait3A_165 : memref<1x80xi32, #tpu.memory_space<vmem>> -> memref<80xi32, #tpu.memory_space<vmem>>
      %dma_wait3A_167 = arith.constant 0 : i32
      %dma_wait3A_168 = arith.constant 0 : i32
      %dma_wait3A_169 = tpu.memref_slice %arg13[%dma_wait3A_167, %dma_wait3A_168] : memref<10000x128xf32, #tpu.memory_space<vmem_shared>> -> memref<10000x128xf32, #tpu.memory_space<vmem_shared>>
      tpu.wait_indirect_dma semaphore(%run_scoped3A_157 : memref<!tpu.dma_semaphore, #tpu.memory_space<semaphore_mem>>) src(%arg10 : memref<80x128xf32, #tpu.memory_space<vmem>>) dst(%dma_wait3A_169 : memref<10000x128xf32, #tpu.memory_space<vmem_shared>>)
      tpu.yield
    }) : () -> ()
    %barrier3A_142 = arith.constant 0 : index
    tpu.barrier barrier_id(%barrier3A_142)
    %mul3A_143 = arith.constant 632 : i32
    %mul3A_144 = arith.muli %arg1, %mul3A_143 : i32
    %lt3A_145 = arith.constant 15 : i32
    %lt3A_146 = arith.cmpi slt, %arg1, %lt3A_145 : i32
    %convert_element_type3A_147 = arith.extui %lt3A_146 : i1 to i32
    %cond3A_148 = arith.constant 0 : i32
    %cond3A_149 = arith.cmpi ne, %convert_element_type3A_147, %cond3A_148 : i32
    scf.if %cond3A_149 {
      %mul3A_157 = arith.constant 10000 : i32
      %mul3A_158 = arith.muli %arg0, %mul3A_157 : i32
      %add3A_159 = arith.addi %mul3A_158, %mul3A_144 : i32
      "tpu.region"() ({
        %run_scoped3A_160 = tpu.sem_alloc : memref<!tpu.dma_semaphore, #tpu.memory_space<semaphore_mem>>
        %dma_start3A_161 = arith.constant 0 : i32
        %dma_start3A_162 = tpu.memref_slice %arg6[%add3A_159, %dma_start3A_161] : memref<20000x128xf32, #tpu.memory_space<hbm>> -> memref<632x128xf32, #tpu.memory_space<hbm>>
        %dma_start3A_163 = arith.constant 0 : i32
        %dma_start3A_164 = tpu.memref_slice %arg13[%mul3A_144, %dma_start3A_163] : memref<10000x128xf32, #tpu.memory_space<vmem_shared>> -> memref<632x128xf32, #tpu.memory_space<vmem_shared>>
        tpu.enqueue_dma source(%dma_start3A_164 : memref<632x128xf32, #tpu.memory_space<vmem_shared>>) target(%dma_start3A_162 : memref<632x128xf32, #tpu.memory_space<hbm>>) target_semaphore(%run_scoped3A_160 : memref<!tpu.dma_semaphore, #tpu.memory_space<semaphore_mem>>)
        %dma_wait3A_165 = arith.constant 0 : i32
        %dma_wait3A_166 = tpu.memref_slice %arg6[%add3A_159, %dma_wait3A_165] : memref<20000x128xf32, #tpu.memory_space<hbm>> -> memref<632x128xf32, #tpu.memory_space<hbm>>
        %dma_wait3A_167 = arith.constant 0 : i32
        %dma_wait3A_168 = tpu.memref_slice %arg13[%mul3A_144, %dma_wait3A_167] : memref<10000x128xf32, #tpu.memory_space<vmem_shared>> -> memref<632x128xf32, #tpu.memory_space<vmem_shared>>
        tpu.wait_dma2 semaphore(%run_scoped3A_160 : memref<!tpu.dma_semaphore, #tpu.memory_space<semaphore_mem>>) src(%dma_wait3A_168 : memref<632x128xf32, #tpu.memory_space<vmem_shared>>) dst(%dma_wait3A_166 : memref<632x128xf32, #tpu.memory_space<hbm>>)
        tpu.yield
      }) : () -> ()
    } else {
    }
    %eq3A_150 = arith.constant 15 : i32
    %eq3A_151 = arith.cmpi eq, %arg1, %eq3A_150 : i32
    %convert_element_type3A_152 = arith.extui %eq3A_151 : i1 to i32
    %cond3A_153 = arith.constant 0 : i32
    %cond3A_154 = arith.cmpi ne, %convert_element_type3A_152, %cond3A_153 : i32
    scf.if %cond3A_154 {
      %mul3A_157 = arith.constant 10000 : i32
      %mul3A_158 = arith.muli %arg0, %mul3A_157 : i32
      %add3A_159 = arith.addi %mul3A_158, %mul3A_144 : i32
      "tpu.region"() ({
        %run_scoped3A_160 = tpu.sem_alloc : memref<!tpu.dma_semaphore, #tpu.memory_space<semaphore_mem>>
        %dma_start3A_161 = arith.constant 0 : i32
        %dma_start3A_162 = tpu.memref_slice %arg6[%add3A_159, %dma_start3A_161] : memref<20000x128xf32, #tpu.memory_space<hbm>> -> memref<520x128xf32, #tpu.memory_space<hbm>>
        %dma_start3A_163 = arith.constant 0 : i32
        %dma_start3A_164 = tpu.memref_slice %arg13[%mul3A_144, %dma_start3A_163] : memref<10000x128xf32, #tpu.memory_space<vmem_shared>> -> memref<520x128xf32, #tpu.memory_space<vmem_shared>>
        tpu.enqueue_dma source(%dma_start3A_164 : memref<520x128xf32, #tpu.memory_space<vmem_shared>>) target(%dma_start3A_162 : memref<520x128xf32, #tpu.memory_space<hbm>>) target_semaphore(%run_scoped3A_160 : memref<!tpu.dma_semaphore, #tpu.memory_space<semaphore_mem>>)
        %dma_wait3A_165 = arith.constant 0 : i32
        %dma_wait3A_166 = tpu.memref_slice %arg6[%add3A_159, %dma_wait3A_165] : memref<20000x128xf32, #tpu.memory_space<hbm>> -> memref<520x128xf32, #tpu.memory_space<hbm>>
        %dma_wait3A_167 = arith.constant 0 : i32
        %dma_wait3A_168 = tpu.memref_slice %arg13[%mul3A_144, %dma_wait3A_167] : memref<10000x128xf32, #tpu.memory_space<vmem_shared>> -> memref<520x128xf32, #tpu.memory_space<vmem_shared>>
        tpu.wait_dma2 semaphore(%run_scoped3A_160 : memref<!tpu.dma_semaphore, #tpu.memory_space<semaphore_mem>>) src(%dma_wait3A_168 : memref<520x128xf32, #tpu.memory_space<vmem_shared>>) dst(%dma_wait3A_166 : memref<520x128xf32, #tpu.memory_space<hbm>>)
        tpu.yield
      }) : () -> ()
    } else {
    }
    %mul3A_155 = arith.constant 10000 : i32
    %mul3A_156 = arith.muli %add3A, %mul3A_155 : i32
    "tpu.region"() ({
      %run_scoped3A_157 = tpu.sem_alloc : memref<!tpu.dma_semaphore, #tpu.memory_space<semaphore_mem>>
      %dma_start3A_158 = tpu.memref_slice %arg7[%mul3A_156] : memref<320000xf32, #tpu.memory_space<hbm>> -> memref<10000xf32, #tpu.memory_space<hbm>>
      %dma_start3A_159 = tpu.memref_slice %arg7[%mul3A_156] : memref<320000xf32, #tpu.memory_space<hbm>> -> memref<10000xf32, #tpu.memory_space<hbm>>
      tpu.enqueue_dma source(%arg12 : memref<10000xf32, #tpu.memory_space<vmem>>) target(%dma_start3A_159 : memref<10000xf32, #tpu.memory_space<hbm>>) target_semaphore(%run_scoped3A_157 : memref<!tpu.dma_semaphore, #tpu.memory_space<semaphore_mem>>)
      %dma_wait3A_160 = tpu.memref_slice %arg7[%mul3A_156] : memref<320000xf32, #tpu.memory_space<hbm>> -> memref<10000xf32, #tpu.memory_space<hbm>>
      %dma_wait3A_161 = tpu.memref_slice %arg7[%mul3A_156] : memref<320000xf32, #tpu.memory_space<hbm>> -> memref<10000xf32, #tpu.memory_space<hbm>>
      tpu.wait_dma2 semaphore(%run_scoped3A_157 : memref<!tpu.dma_semaphore, #tpu.memory_space<semaphore_mem>>) src(%arg12 : memref<10000xf32, #tpu.memory_space<vmem>>) dst(%dma_wait3A_161 : memref<10000xf32, #tpu.memory_space<hbm>>)
      tpu.yield
    }) : () -> ()
    return
  }
}

module attributes {stable_mosaic.version = 14 : i64} {
  func.func @_tc_self_body(%arg0: i32, %arg1: memref<2000x128xf32, #tpu.memory_space<vmem>>, %arg2: memref<128x128xf32, #tpu.memory_space<vmem>>, %arg3: memref<1x128xf32, #tpu.memory_space<vmem>>, %arg4: memref<2000x128xf32, #tpu.memory_space<vmem>>) attributes {dimension_semantics = [#tpu.dimension_semantics<arbitrary>], iteration_bounds = array<i64: 5>, scalar_prefetch = 0 : i64, scratch_operands = 0 : i64, tpu.core_type = #tpu.core_type<tc>, window_params = [{transform_indices = @transform_0, window_bounds = array<i64: 2000, 128>}, {pipeline_mode = #tpu.pipeline_mode<synchronous>, transform_indices = @transform_1, window_bounds = array<i64: 128, 128>}, {pipeline_mode = #tpu.pipeline_mode<synchronous>, transform_indices = @transform_2, window_bounds = array<i64: 1, 128>}, {transform_indices = @transform_3, window_bounds = array<i64: 2000, 128>}]} {
    %get3A = arith.constant 0 : index
    %get3A_0 = arith.constant 0 : index
    %get3A_1 = vector.load %arg1[%get3A, %get3A_0] : memref<2000x128xf32, #tpu.memory_space<vmem>>, vector<2000x128xf32>
    %get3A_2 = arith.constant 0 : index
    %get3A_3 = arith.constant 0 : index
    %get3A_4 = vector.load %arg2[%get3A_2, %get3A_3] : memref<128x128xf32, #tpu.memory_space<vmem>>, vector<128x128xf32>
    %dot_general3A = arith.constant dense<0.000000e+00> : vector<2000x128xf32>
    %dot_general3A_5 = tpu.matmul %get3A_1, %get3A_4, %dot_general3A {dimension_numbers = #tpu.dot_dimension_numbers<[1], [1], [0], [0], [0, 0, 1, 0], [], []>, precision = #tpu.contract_precision<fp32>, transpose_lhs_hint = false} : vector<2000x128xf32>, vector<128x128xf32>, vector<2000x128xf32> -> vector<2000x128xf32>
    %get3A_6 = arith.constant 0 : index
    %get3A_7 = arith.constant 0 : index
    %get3A_8 = vector.load %arg3[%get3A_6, %get3A_7] : memref<1x128xf32, #tpu.memory_space<vmem>>, vector<1x128xf32>
    %add3A = vector.broadcast %get3A_8 : vector<1x128xf32> to vector<2000x128xf32>
    %add3A_9 = arith.addf %dot_general3A_5, %add3A : vector<2000x128xf32>
    %swap3A = arith.constant 0 : index
    %swap3A_10 = arith.constant 0 : index
    %swap3A_11 = vector.load %arg4[%swap3A, %swap3A_10] : memref<2000x128xf32, #tpu.memory_space<vmem>>, vector<2000x128xf32>
    tpu.vector_store %arg4[%swap3A, %swap3A_10], %add3A_9 {strides = array<i32>} : memref<2000x128xf32, #tpu.memory_space<vmem>>, vector<2000x128xf32>,
    return
  }
  func.func @transform_0(%arg0: i32) -> (i32, i32) {
    %c0_i32 = arith.constant 0 : i32
    %c0_i32_0 = arith.constant 0 : i32
    return %arg0, %c0_i32 : i32, i32
  }
  func.func @transform_1(%arg0: i32) -> (i32, i32) {
    %c0_i32 = arith.constant 0 : i32
    %c0_i32_0 = arith.constant 0 : i32
    %c0_i32_1 = arith.constant 0 : i32
    return %c0_i32, %c0_i32_0 : i32, i32
  }
  func.func @transform_2(%arg0: i32) -> (i32, i32) {
    %c0_i32 = arith.constant 0 : i32
    %c0_i32_0 = arith.constant 0 : i32
    %c0_i32_1 = arith.constant 0 : i32
    return %c0_i32, %c0_i32_0 : i32, i32
  }
  func.func @transform_3(%arg0: i32) -> (i32, i32) {
    %c0_i32 = arith.constant 0 : i32
    %c0_i32_0 = arith.constant 0 : i32
    return %arg0, %c0_i32 : i32, i32
  }
}

module attributes {stable_mosaic.version = 14 : i64} {
  func.func @_tc_agg_body(%arg0: i32, %arg1: memref<2000x128xf32, #tpu.memory_space<vmem>>, %arg2: memref<2x2000x128xf32, #tpu.memory_space<vmem>>, %arg3: memref<2000x1xf32, #tpu.memory_space<vmem>>, %arg4: memref<128x128xf32, #tpu.memory_space<vmem>>, %arg5: memref<2000x128xf32, #tpu.memory_space<vmem>>) attributes {dimension_semantics = [#tpu.dimension_semantics<arbitrary>], iteration_bounds = array<i64: 5>, scalar_prefetch = 0 : i64, scratch_operands = 0 : i64, tpu.core_type = #tpu.core_type<tc>, window_params = [{transform_indices = @transform_0, window_bounds = array<i64: 2000, 128>}, {transform_indices = @transform_1, window_bounds = array<i64: 2, 2000, 128>}, {transform_indices = @transform_2, window_bounds = array<i64: 2000, 1>}, {pipeline_mode = #tpu.pipeline_mode<synchronous>, transform_indices = @transform_3, window_bounds = array<i64: 128, 128>}, {transform_indices = @transform_4, window_bounds = array<i64: 2000, 128>}]} {
    %get3A = arith.constant 0 : index
    %get3A_0 = arith.constant 0 : index
    %get3A_1 = arith.constant 0 : index
    %get3A_2 = vector.load %arg2[%get3A, %get3A_0, %get3A_1] : memref<2x2000x128xf32, #tpu.memory_space<vmem>>, vector<1x2000x128xf32>
    %get3A_3 = vector.shape_cast %get3A_2 : vector<1x2000x128xf32> to vector<2000x128xf32>
    %get3A_4 = arith.constant 1 : index
    %get3A_5 = arith.constant 0 : index
    %get3A_6 = arith.constant 0 : index
    %get3A_7 = vector.load %arg2[%get3A_4, %get3A_5, %get3A_6] : memref<2x2000x128xf32, #tpu.memory_space<vmem>>, vector<1x2000x128xf32>
    %get3A_8 = vector.shape_cast %get3A_7 : vector<1x2000x128xf32> to vector<2000x128xf32>
    %add3A = arith.addf %get3A_3, %get3A_8 : vector<2000x128xf32>
    %get3A_9 = arith.constant 0 : index
    %get3A_10 = arith.constant 0 : index
    %get3A_11 = vector.load %arg3[%get3A_9, %get3A_10] : memref<2000x1xf32, #tpu.memory_space<vmem>>, vector<2000x1xf32>
    %max3A = arith.constant 1.000000e+00 : f32
    %max3A_12 = vector.broadcast %max3A : f32 to vector<2000x1xf32>
    %max3A_13 = arith.maximumf %get3A_11, %max3A_12 : vector<2000x1xf32>
    %div3A = vector.broadcast %max3A_13 : vector<2000x1xf32> to vector<2000x128xf32>
    %div3A_14 = arith.divf %add3A, %div3A : vector<2000x128xf32>
    %get3A_15 = arith.constant 0 : index
    %get3A_16 = arith.constant 0 : index
    %get3A_17 = vector.load %arg1[%get3A_15, %get3A_16] : memref<2000x128xf32, #tpu.memory_space<vmem>>, vector<2000x128xf32>
    %get3A_18 = arith.constant 0 : index
    %get3A_19 = arith.constant 0 : index
    %get3A_20 = vector.load %arg4[%get3A_18, %get3A_19] : memref<128x128xf32, #tpu.memory_space<vmem>>, vector<128x128xf32>
    %dot_general3A = arith.constant dense<0.000000e+00> : vector<2000x128xf32>
    %dot_general3A_21 = tpu.matmul %div3A_14, %get3A_20, %dot_general3A {dimension_numbers = #tpu.dot_dimension_numbers<[1], [1], [0], [0], [0, 0, 1, 0], [], []>, precision = #tpu.contract_precision<fp32>, transpose_lhs_hint = false} : vector<2000x128xf32>, vector<128x128xf32>, vector<2000x128xf32> -> vector<2000x128xf32>
    %add3A_22 = arith.addf %get3A_17, %dot_general3A_21 : vector<2000x128xf32>
    %swap3A = arith.constant 0 : index
    %swap3A_23 = arith.constant 0 : index
    %swap3A_24 = vector.load %arg5[%swap3A, %swap3A_23] : memref<2000x128xf32, #tpu.memory_space<vmem>>, vector<2000x128xf32>
    tpu.vector_store %arg5[%swap3A, %swap3A_23], %add3A_22 {strides = array<i32>} : memref<2000x128xf32, #tpu.memory_space<vmem>>, vector<2000x128xf32>,
    return
  }
  func.func @transform_0(%arg0: i32) -> (i32, i32) {
    %c0_i32 = arith.constant 0 : i32
    %c0_i32_0 = arith.constant 0 : i32
    return %arg0, %c0_i32 : i32, i32
  }
  func.func @transform_1(%arg0: i32) -> (i32, i32, i32) {
    %c0_i32 = arith.constant 0 : i32
    %c0_i32_0 = arith.constant 0 : i32
    %c0_i32_1 = arith.constant 0 : i32
    return %c0_i32, %arg0, %c0_i32_0 : i32, i32, i32
  }
  func.func @transform_2(%arg0: i32) -> (i32, i32) {
    %c0_i32 = arith.constant 0 : i32
    %c0_i32_0 = arith.constant 0 : i32
    return %arg0, %c0_i32 : i32, i32
  }
  func.func @transform_3(%arg0: i32) -> (i32, i32) {
    %c0_i32 = arith.constant 0 : i32
    %c0_i32_0 = arith.constant 0 : i32
    %c0_i32_1 = arith.constant 0 : i32
    return %c0_i32, %c0_i32_0 : i32, i32
  }
  func.func @transform_4(%arg0: i32) -> (i32, i32) {
    %c0_i32 = arith.constant 0 : i32
    %c0_i32_0 = arith.constant 0 : i32
    return %arg0, %c0_i32 : i32, i32
  }
}

</mosaic_0001>

<sc_bundles>
// kernel: kernel.5.cloned.1.call-start
scs
__scs_entry_jumppad:
0x0: {  	(pc) =	sbr.rel $0x88, $3  }
0x1: {  	(tag) =	ssettag $0x0;
	lr =	simm.s32 $0x1  }
0x2: {  	[smem:$0x3F9B] =	sst lr;
	_ =	strace $0xD0000000  }
0x3: {  	_ = 	snop  }
0x4: {  	_ = 	snop  }
0x5: {  	_ = 	snop  }
0x6: {  	_ = 	snop  }
0x7: {  	_ = 	snop  }
__scs_overlays_trampoline_lowered:
0x8: {  	[smem:$0x3FAA] =	sst s0  }
0x9: {  	[smem:$0x3FAB] =	sst s1  }
0xa: {  	[smem:$0x3FAC] =	sst s2  }
0xb: {  	[smem:$0x3FAD] =	sst s3  }
0xc: {  	[smem:$0x3FAE] =	sst s4  }
0xd: {  	[smem:$0x3FAF] =	sst s5  }
0xe: {  	[smem:$0x3FB0] =	sst s6  }
0xf: {  	[smem:$0x3FB1] =	sst s7  }
0x10: {  	[smem:$0x3FB2] =	sst s8  }
0x11: {  	[smem:$0x3FB3] =	sst s9;
	s0 =	simm.s32 @!p0 $0x0  }
0x12: {  	s1 =	sld [smem:$0x3F99];
	s0 =	simm.s32 @p0 $0x1  }
0x13: {  	[smem:$0x3FB4] =	sst s0;
	s0 =	simm.s32 @!p1 $0x0  }
0x14: {  	s2 =	sld [smem:$0x3F98];
	s0 =	simm.s32 @p1 $0x1  }
0x15: {  	[smem:$0x3FB5] =	sst s0;
	s0 =	simm.s32 @!p2 $0x0  }
0x16: {  	s3 =	sld [smem:$0x3FDB];
	s0 =	simm.s32 @p2 $0x1  }
0x17: {  	s4 =	simm.s32 $0x1BF5;
	[smem:$0x3FB7] =	sst s0  }
0x18: {  	s0 =	sld [smem:$0x3F9A];
	_ =	swait.ge [sflag:s4], $0x0  }
0x19: {  	s7 =	sld [smem:$0x3F9B]  }
0x1a: {  	s8 =	sadd.s32 $0xFFFFE003, lr  }
0x1b: {  	s9 =	sadd.s32 $0xFFFFFEF7, lr;
	s5 =	simm.s32 $0xFFFFFFFF;
	p2 =	slt.u32 s8, $0xFFFFF086  }
0x1c: {  	p1 =	slt.u32 s9, $0xF7A;
	s5 =	simm.s32 @!p2 $0x0  }
0x1d: {  	s5 =	simm.s32 @p1 $0x1;
	p0 =	seq.s32 s7, s2  }
0x1e: {  	s7 =	smul.u32 @!p0 $0xF7A, s2;
	p2 =	seq.s32 @!p0 s5, $0x0  }
0x1f: {  	s9 =	smul.u32 $0xF7A, s1;
	s8 =	simm.s32 @!p0 $0x1BF5;
	p2 =	por !p2, p0  }
0x20: {  	[sflag:s8] =	ssyncset.s32 @!p0 $0xFFFFF086;
	s6 =	sadd.s32 @!p0 s3, s7;
	s7 =	simm.s32 @!p0 $0x108  }
0x21: {  	s3 =	sadd.s32 s3, s9;
	s6 =	sadd.s32 @!p0 $0x88, s6;
	s7 =	simm.s32 @p2 $0x1082  }
0x22: {  	[simem:s7], [sflag:s8] =	dma.local @!p0 [hbm:s6], $0xF7A  }
0x23: {  	s9 =	sor.u32 $0xD0000000, s2;
	s6 =	simm.s32 $0x108;
	_ =	swait.ge @!p0 [sflag:s8], $0x0  }
0x24: {  	s3 =	sadd.s32 $0x88, s3;
	s6 =	simm.s32 @!p1 $0x1082;
	[sflag:s4] =	ssyncset.s32 $0xFFFFF086  }
0x25: {  	[simem:s6], [sflag:s4] =	dma.local [hbm:s3], $0xF7A  }
0x26: {  	[smem:$0x3F9B] =	sst s1;
	(tag) =	ssettag s2;
	_ =	strace s9  }
0x27: {  	s1 =	sld [smem:$0x3FAB]  }
0x28: {  	s2 =	sld [smem:$0x3FAC]  }
0x29: {  	s4 =	sld [smem:$0x3FAE]  }
0x2a: {  	p0 =	seq.s32 s5, $0x0;
	s5 =	sld [smem:$0x3FAF]  }
0x2b: {  	s6 =	sld [smem:$0x3FB0]  }
0x2c: {  	s7 =	sld [smem:$0x3FB1]  }
0x2d: {  	s3 =	simm.s32 $0x108;
	s8 =	sld [smem:$0x3FB2]  }
0x2e: {  	s3 =	simm.s32 @!p0 $0x1082;
	s9 =	sld [smem:$0x3FB3]  }
0x2f: {  	lr =	sadd.s32 s0, s3;
	s0 =	sld [smem:$0x3FAA]  }
0x30: {  	s3 =	sld [smem:$0x3FAD]  }
0x31: {  	[smem:$0x3FB6] =	sst s10  }
0x32: {  	s10 =	sld [smem:$0x3FB4];
	_ =	sdelay $0x3  }
0x33: {  	p0 =	seq.s32 s10, $0x1;
	s10 =	sld [smem:$0x3FB6];
	_ =	sdelay $0x3  }
0x34: {  	[smem:$0x3FB6] =	sst s10  }
0x35: {  	s10 =	sld [smem:$0x3FB5];
	_ =	sdelay $0x3  }
0x36: {  	p1 =	seq.s32 s10, $0x1;
	s10 =	sld [smem:$0x3FB6];
	_ =	sdelay $0x3  }
0x37: {  	[smem:$0x3FB6] =	sst s10  }
0x38: {  	s10 =	sld [smem:$0x3FB7]  }
0x39: {  	_ = 	snop;
	(pc) =	sbr.ind lr, $3  }
0x3a: {  	_ = 	snop  }
0x3b: {  	_ = 	snop  }
0x3c: {  	p2 =	seq.s32 s10, $0x1;
	s10 =	sld [smem:$0x3FB6]  }
0x3d: {  	_ =	shalt  }
0x3e: {  	_ =	shalt  }
0x3f: {  	_ =	shalt  }
0x40: {  	_ =	shalt  }
0x41: {  	_ =	shalt  }
0x42: {  	_ =	shalt  }
0x43: {  	_ =	shalt  }
0x44: {  	_ =	shalt  }
0x45: {  	_ =	shalt  }
0x46: {  	_ =	shalt  }
0x47: {  	_ =	shalt  }
0x48: {  	_ =	shalt  }
0x49: {  	_ =	shalt  }
0x4a: {  	_ =	shalt  }
0x4b: {  	_ =	shalt  }
0x4c: {  	_ =	shalt  }
0x4d: {  	_ =	shalt  }
0x4e: {  	_ =	shalt  }
0x4f: {  	_ =	shalt  }
0x50: {  	_ =	shalt  }
0x51: {  	_ =	shalt  }
0x52: {  	_ =	shalt  }
0x53: {  	_ =	shalt  }
0x54: {  	_ =	shalt  }
0x55: {  	_ =	shalt  }
0x56: {  	_ =	shalt  }
0x57: {  	_ =	shalt  }
0x58: {  	_ =	shalt  }
0x59: {  	_ =	shalt  }
0x5a: {  	_ =	shalt  }
0x5b: {  	_ =	shalt  }
0x5c: {  	_ =	shalt  }
0x5d: {  	_ =	shalt  }
0x5e: {  	_ =	shalt  }
0x5f: {  	_ =	shalt  }
0x60: {  	_ =	shalt  }
0x61: {  	_ =	shalt  }
0x62: {  	_ =	shalt  }
0x63: {  	_ =	shalt  }
0x64: {  	_ =	shalt  }
0x65: {  	_ =	shalt  }
0x66: {  	_ =	shalt  }
0x67: {  	_ =	shalt  }
0x68: {  	_ =	shalt  }
0x69: {  	_ =	shalt  }
0x6a: {  	_ =	shalt  }
0x6b: {  	_ =	shalt  }
0x6c: {  	_ =	shalt  }
0x6d: {  	_ =	shalt  }
0x6e: {  	_ =	shalt  }
0x6f: {  	_ =	shalt  }
0x70: {  	_ =	shalt  }
0x71: {  	_ =	shalt  }
0x72: {  	_ =	shalt  }
0x73: {  	_ =	shalt  }
0x74: {  	_ =	shalt  }
0x75: {  	_ =	shalt  }
0x76: {  	_ =	shalt  }
0x77: {  	_ =	shalt  }
0x78: {  	_ =	shalt  }
0x79: {  	_ =	shalt  }
0x7a: {  	_ =	shalt  }
0x7b: {  	_ =	shalt  }
0x7c: {  	_ =	shalt  }
0x7d: {  	_ =	shalt  }
0x7e: {  	_ =	shalt  }
0x7f: {  	_ =	shalt  }
0x80: {  	_ =	shalt  }
0x81: {  	_ =	shalt  }
0x82: {  	_ =	shalt  }
0x83: {  	_ =	shalt  }
0x84: {  	_ =	shalt  }
0x85: {  	_ =	shalt  }
0x86: {  	_ =	shalt  }
0x87: {  	_ =	shalt  }
.Lfunc_end0:
.L_simem_size_0:
called_computation_lowered:
.L_overlay_start_0:
0x88: {  	s2 =	sld [smem:$0x3FD9]  }
0x89: {  	s3 =	sld [smem:$0x3FFE];
	_ =	sdelay $0x1  }
0x8a: {  	s1 =	srdreg.scid  }
0x8b: {  	s0 =	sand.u32 $0x1, s1  }
0x8c: {  	s17 =	sshll.u32 s0, $0xA;
	s2 =	sadd.s32 s3, s2  }
0x8d: {  	s2 =	sadd.s32 s2, s17  }
0x8e: {  	[smem:$0x3FC2] =	sst s2  }
0x8f: {  	_ = 	snop  }
0x90: {  	s2 =	sld [smem:$0x3FC9]  }
0x91: {  	s18 =	sld [smem:$0x3FD0];
	(tm) =	ssettm $0x1  }
0x92: {  	s4 =	sld [smem:$0x3FFB];
	_ =	sdelay $0x3  }
0x93: {  	_ =	strace s4  }
0x94: {  	s4 =	sld [smem:$0x3FFC];
	_ =	sdelay $0x3  }
0x95: {  	_ =	strace s4  }
0x96: {  	s4 =	sld [smem:$0x3FFD];
	_ =	sdelay $0x3  }
0x97: {  	_ =	strace s4  }
0x98: {  	_ =	strace $0x8FFFFFFF  }
0x99: {  	s19 =	sld [smem:$0x3FDB];
	_ =	sdelay $0x1  }
0x9a: {  	s5 =	simm.s32 $_scs_section_size  }
0x9b: {  	s6 =	simm.s32 $_size__tile_overlayer_lowered;
	s7 =	simm.s32 $_tile_overlayer_lowered  }
0x9c: {  	s22 =	simm.s32 $0x1BFF;
	s21 =	sshll.u32 s7, $0x1;
	s4 =	sadd.s32 s5, s19  }
0x9d: {  	s8 =	simm.s32 $0x0;
	s20 =	sshll.u32 s6, $0x1;
	s6 =	sadd.s32 s21, s4  }
0x9e: {  	[timem:s8], [sflag:s22] =	dma.local [hbm:s6], s20  }
0x9f: {  	_ =	swait.ge [sflag:s22], s20  }
0xa0: {  	s5 =	ssub.s32 $0x0, s20;
	[sflag:s22] =	ssyncset.done $0x0  }
0xa1: {  	[sflag:s22] =	ssyncadd.s32 s5;
	_ =	sdelay $0x1  }
0xa2: {  	s23 =	simm.s32 $0x1B8B  }
0xa3: {  	_ =	swait.ge [sflag:s23], $0x1  }
0xa4: {  	[sflag:s23] =	ssyncset.done $0x0  }
0xa5: {  	s25 =	simm.s32 $0x1B8E;
	s24 =	sld [smem:$0x3FFE];
	[sflag:s23] =	ssyncadd.s32 $0xFFFFFFFF  }
0xa6: {  	s26 =	simm.s32 $execute0_lowered;
	[smem:$0x3FD2] =	sst s25  }
0xa7: {  	s6 =	sshll.u32 s26, $0x1;
	_ =	strace $0x80000046;
	[dreg:$0x1] =	wrdreg $0xFFFFFFFF  }
0xa8: {  	s28 =	simm.s32 $_size_execute0_lowered;
	s4 =	sadd.s32 s4, s6;
	[dreg:$0x0] =	wrdreg $0x0  }
0xa9: {  	s6 =	sshll.u32 s28, $0x1;
	[dreg:$0x2] =	wrdreg s4  }
0xaa: {  	[dreg:$0x3] =	wrdreg s6  }
0xab: {  	[dreg:$0x4] =	wrdreg $0xC0  }
0xac: {  	_ =	task [dreg:s8], $0x5FFFF  }
0xad: {  	[dreg:$0x1] =	wrdreg $0xFFFFFFFF  }
0xae: {  	[dreg:$0x0] =	wrdreg $0x60  }
0xaf: {  	[dreg:$0x2] =	wrdreg s2  }
0xb0: {  	[dreg:$0x3] =	wrdreg s24  }
0xb1: {  	[dreg:$0x4] =	wrdreg s18  }
0xb2: {  	[dreg:$0x5] =	wrdreg $0xC5300  }
0xb3: {  	[dreg:$0x6] =	wrdreg $0x9  }
0xb4: {  	_ =	task.clear_ibuf [dreg:s8], $0x7FFFF;
	_ =	strace $0x90000046  }
0xb5: {  	s29 =	simm.s32 $0x9;
	_ =	strace $0x80000048  }
0xb6: {  	_ =	swait.ge [sflag:s29], $0x1  }
0xb7: {  	[sflag:s29] =	ssyncadd.s32 $0xFFFFFFFF  }
0xb8: {  	_ =	strace $0x90000048  }
0xb9: {  	_ =	sfence  }
0xba: {  	s30 =	sld [smem:$0x0];
	_ =	sdelay $0x2  }
0xbb: {  	s31 =	sshll.u32 s1, $0xD;
	s1 =	sshrl.u32 s1, $0x2  }
0xbc: {  	s3 =	sand.u32 $0x4000, s31;
	s1 =	sadd.s32 s1, s30  }
0xbd: {  	s0 =	sor.u32 s3, s0;
	s1 =	sshll.u32 s1, $0x11  }
0xbe: {  	s0 =	sor.u32 s1, s0  }
0xbf: {  	s0 =	sadd.s32 $0x8F2B, s0  }
0xc0: {  	[sflag:s0] =	ssyncadd.remote.s32 $0x1  }
0xc1: {  	_ =	sfence.sel $0xFFFF  }
0xc2: {  	[dreg:$0x0] =	wrdreg $0xFFFFFFFF;
	(pc) =	sbr.abs _section_cstart, $3  }
0xc3: {  	[dreg:$0x1] =	wrdreg $0xFFFFFFFF  }
0xc4: {  	_ =	task.clear_ibuf [dreg:s8], $0x2FFFF;
	_ =	strace $0x9FFFFFFF  }
0xc5: {  	(tm) =	ssettm $0x7FFFFFFF  }
tec
execute0_lowered:
.L_overlay_start_1:
0x0: {  	(tag) =	ssettag $0x1  }
0x1: {  	s1 =	rddreg [dreg:$0x0]  }
0x2: {  	s6 =	rddreg [dreg:$0x1]  }
0x3: {  	s7 =	rddreg [dreg:$0x2]  }
0x4: {  	s2 =	rddreg [dreg:$0x3];
	s3 =	srdreg.scid  }
0x5: {  	s0 =	rddreg [dreg:$0x4];
	s4 =	simm.s32 $0x0;
	s17 =	simm.s32 $0x1  }
0x6: {  	s18 =	simm.s32 $0x50;
	s19 =	simm.s32 $0x4E20;
	s20 =	simm.s32 $0x7620  }
0x7: {  	s21 =	simm.s32 $0x9E20;
	s22 =	simm.s32 $0x2;
	s23 =	simm.s32 $0x4D30  }
0x8: {  	s24 =	simm.s32 $0x26C0;
	s8 =	sand.u32 $0x1, s3;
	s3 =	stileid.u32  }
0x9: {  	s25 =	simm.s32 $0x4D80;
	s28 =	simm.s32 $0x0;
	s11 =	smul.u32 $0x4F000, s3  }
0xa: {  	[smem:$0x7FF] =	sst s4;
	s16 =	sadd.s32 $0x128400, s2;
	s13 =	smul.u32 $0x27100, s8  }
0xb: {  	s5 =	sshll.u32 s8, $0x4;
	s26 =	ssub.s32 $0x2, s8;
	s8 =	smul.u32 $0x138800, s8  }
0xc: {  	s10 =	sadd.s32 $0x17000, s6;
	_ =	strace $0x80000047;
	s29 =	smul.u32 $0x2780, s3  }
0xd: {  	p0 =	seq.s32 s3, $0xF;
	s5 =	sor.u32 s3, s5;
	s14 =	sshrl.u32 s26, $0x1  }
0xe: {  	s9 =	smul.u32 $0x4E2, s5;
	s5 =	sadd.s32 $0xAA00, s6;
	s11 =	sshrl.u32 s11, $0x2  }
0xf: {  	s14 =	ssub.s32 s26, s14;
	s8 =	sshrl.u32 s8, $0x3;
	s30 =	sadd.s32 s29, s13  }
0x10: {  	s13 =	sshrl.u32 @p0 s16, $0x3;
	s16 =	simm.s32 $0x2710;
	s26 =	simm.s32 $0x4DD0  }
0x11: {  	s15 =	sadd.s32 s11, s2;
	s31 =	sadd.s32 s10, s8;
	s8 =	sadd.s32 s10, s30  }
0x12: {  	s11 =	smax.u32 s14, $0x1;
	s12 =	sadd.s32 s9, s6;
	s7 =	sadd.s32 s7, s9  }
0x13: {  	s6 =	sadd.s32 $0xC00, s12;
	s10 =	sadd.s32 $0xD200, s12;
	s12 =	sshll.u32 @!p0 s3, $0x6  }
0x14: {  	v0 =	vimm.f32 $0.0e+00;
	v1 =	vimm.f32 $1.000000000e+00;
	s9 =	sadd.s32 $0x25080, s31;
	s15 =	sshrl.u32 @!p0 s15, $0x3;
	s14 =	sor.u32 @!p0 $0x1C01, s12  }
.LBB2_1:
0x15: {  	s29 =	simm.s32 @p0 $0x1FC1  }
0x16: {  	[spmem:s13], [sflag:s29] =	dma.local @p0 [hbm:s5], $0x2080  }
0x17: {  	[spmem:s15], [sflag:s14] =	dma.local @!p0 [hbm:s5], $0x2780  }
0x18: {  	[tilespmem:s4], [sflag:$0x1] =	stream.linear.gather [hbm4b:s6+s4], $0x2710, $0x38;
	[tilespmem:$0x1FDB0] =	vst v63  }
0x19: {  	s30 =	simm.s32 $0x0;
	s29 =	simm.s32 $0x40  }
0x1a: {  	[tilespmem:s16], [sflag:$0x1] =	stream.linear.gather [hbm4b:s7+s4], $0x2710, $0x38;
	[tilespmem:$0x1FDB0] =	vst v63  }
.LBB2_2:
0x1b: {  	p1 =	sne.s32 s29, $0x9C00;
	[tilespmem:s30+$0x9E20] =	vst v0;
	s30 =	smov.u32 s29;
	s29 =	sadd.s32 $0x40, s29  }
.Ltmp0:
0x1c: {  	(pc) =	sbr.rel @p1 .LBB2_2-.Ltmp0, $2  }
0x1d: {  	_ =	sdelay $0x2  }
0x1e: {  	s30 =	sshra.s32 s30, $0x2  }
0x1f: {  	[tilespmem:s30+$0x9E20] =	vst v0;
	s29 =	simm.s32 @p0 $0x1  }
0x20: {  	_ =	swait.ge @p0 [sflag:s29], $0x2080  }
0x21: {  	[sflag:s29] =	ssyncset.done @p0 $0x0  }
0x22: {  	[sflag:s29] =	ssyncadd.s32 @p0 $0xFFFFDF80;
	s29 =	simm.s32 @!p0 $0x1  }
0x23: {  	_ =	swait.ge @!p0 [sflag:s29], $0x2780  }
0x24: {  	[sflag:s29] =	ssyncset.done @!p0 $0x0  }
0x25: {  	[sflag:s29] =	ssyncadd.s32 @!p0 $0xFFFFD880  }
0x26: {  	_ =	swait.ge [sflag:s17], $0x2710  }
0x27: {  	[sflag:s17] =	ssyncset.done $0x0  }
0x28: {  	[sflag:s17] =	ssyncadd.s32 $0xFFFFD8F0  }
0x29: {  	_ =	swait.ge [sflag:s17], $0x2710  }
0x2a: {  	[sflag:s17] =	ssyncset.done $0x0  }
0x2b: {  	[sflag:s17] =	ssyncadd.s32 $0xFFFFD8F0  }
0x2c: {  	s29 =	simm.s32 $0x0;
	[bflag:$0x0] =	sbarrier.arrive $0xFFFF  }
0x2d: {  	[tilespmem:s19], [sflag:$0x1] =	stream.indirect.gather [hbm4b:s1+s18], $0x80, s29, s18, $0xb8;
	[tilespmem:$0x1FDB0] =	vst v63  }
0x2e: {  	_ = 	snop  }
0x2f: {  	[tilespmem:s20], [sflag:$0x1] =	stream.indirect.gather [hbm4b:s1+s18], $0x80, s18, s18, $0xb8;
	[tilespmem:$0x1FDB0] =	vst v63  }
.LBB2_4:
0x30: {  	s30 =	sshra.s32 s29, $0x2  }
0x31: {  	v2 =	vld [tilespmem:s30+$0x2710];
	_ =	sdelay $0x7  }
0x32: {  	[tilespmem:v2+s21+$0x0] =	vst.idx.add.f32.msk $0xffff, v1  }
0x33: {  	v2 =	vld [tilespmem:s30+$0x2720];
	_ =	sdelay $0x7  }
0x34: {  	[tilespmem:v2+s21+$0x0] =	vst.idx.add.f32.msk $0xffff, v1  }
0x35: {  	v2 =	vld [tilespmem:s30+$0x2730];
	_ =	sdelay $0x7  }
0x36: {  	[tilespmem:v2+s21+$0x0] =	vst.idx.add.f32.msk $0xffff, v1  }
0x37: {  	v2 =	vld [tilespmem:s30+$0x2740];
	_ =	sdelay $0x7  }
0x38: {  	[tilespmem:v2+s21+$0x0] =	vst.idx.add.f32.msk $0xffff, v1  }
0x39: {  	v2 =	vld [tilespmem:s30+$0x2750];
	_ =	sdelay $0x7  }
0x3a: {  	[tilespmem:v2+s21+$0x0] =	vst.idx.add.f32.msk $0xffff, v1  }
0x3b: {  	_ =	swait.ge [sflag:s17], $0x2800  }
0x3c: {  	[sflag:s17] =	ssyncset.done $0x0  }
0x3d: {  	s31 =	sadd.s32 $0x2710, s30;
	[sflag:s17] =	ssyncadd.s32 $0xFFFFD800  }
0x3e: {  	[spmem:s2] =	stream.indirect.scatter.add.f32 [tilespmem:s19], [sflag:$0x2], $0x80, s31, s18, $0xb8;
	[tilespmem:$0x1FDB0] =	vst v63  }
0x3f: {  	_ =	swait.ge [sflag:s22], $0x2800  }
0x40: {  	[sflag:s22] =	ssyncset.done $0x0  }
0x41: {  	s31 =	sadd.s32 $0xA0, s30;
	[sflag:s22] =	ssyncadd.s32 $0xFFFFD800  }
0x42: {  	[tilespmem:s19], [sflag:$0x1] =	stream.indirect.gather [hbm4b:s1+s18], $0x80, s31, s18, $0xb8;
	[tilespmem:$0x1FDB0] =	vst v63  }
0x43: {  	v2 =	vld [tilespmem:s30+$0x2760];
	_ =	sdelay $0x7  }
0x44: {  	[tilespmem:v2+s21+$0x0] =	vst.idx.add.f32.msk $0xffff, v1  }
0x45: {  	v2 =	vld [tilespmem:s30+$0x2770];
	_ =	sdelay $0x7  }
0x46: {  	[tilespmem:v2+s21+$0x0] =	vst.idx.add.f32.msk $0xffff, v1  }
0x47: {  	v2 =	vld [tilespmem:s30+$0x2780];
	_ =	sdelay $0x7  }
0x48: {  	[tilespmem:v2+s21+$0x0] =	vst.idx.add.f32.msk $0xffff, v1  }
0x49: {  	v2 =	vld [tilespmem:s30+$0x2790];
	_ =	sdelay $0x7  }
0x4a: {  	[tilespmem:v2+s21+$0x0] =	vst.idx.add.f32.msk $0xffff, v1  }
0x4b: {  	v2 =	vld [tilespmem:s30+$0x27A0];
	_ =	sdelay $0x7  }
0x4c: {  	[tilespmem:v2+s21+$0x0] =	vst.idx.add.f32.msk $0xffff, v1  }
0x4d: {  	_ =	swait.ge [sflag:s17], $0x2800  }
0x4e: {  	[sflag:s17] =	ssyncset.done $0x0  }
0x4f: {  	p1 =	sne.s32 s29, $0x9600;
	s31 =	sadd.s32 $0x2760, s30;
	[sflag:s17] =	ssyncadd.s32 $0xFFFFD800  }
0x50: {  	[spmem:s2] =	stream.indirect.scatter.add.f32 [tilespmem:s20], [sflag:$0x2], $0x80, s31, s18, $0xb8;
	[tilespmem:$0x1FDB0] =	vst v63  }
.Ltmp1:
0x51: {  	_ = 	snop;
	(pc) =	sbr.rel @p1 .LBB2_4-.Ltmp1, $4  }
0x52: {  	_ =	swait.ge [sflag:s22], $0x2800  }
0x53: {  	[sflag:s22] =	ssyncset.done $0x0  }
0x54: {  	s29 =	sadd.s32 $0x280, s29;
	s30 =	sadd.s32 $0xF0, s30;
	[sflag:s22] =	ssyncadd.s32 $0xFFFFD800  }
0x55: {  	[tilespmem:s20], [sflag:$0x1] =	stream.indirect.gather [hbm4b:s1+s18], $0x80, s30, s18, $0xb8;
	[tilespmem:$0x1FDB0] =	vst v63  }
0x56: {  	v2 =	vld [tilespmem:$0x4D30];
	_ =	sdelay $0x7  }
0x57: {  	[tilespmem:v2+s21+$0x0] =	vst.idx.add.f32.msk $0xffff, v1  }
0x58: {  	v2 =	vld [tilespmem:$0x4D40];
	_ =	sdelay $0x7  }
0x59: {  	[tilespmem:v2+s21+$0x0] =	vst.idx.add.f32.msk $0xffff, v1  }
0x5a: {  	v2 =	vld [tilespmem:$0x4D50];
	_ =	sdelay $0x7  }
0x5b: {  	[tilespmem:v2+s21+$0x0] =	vst.idx.add.f32.msk $0xffff, v1  }
0x5c: {  	v2 =	vld [tilespmem:$0x4D60];
	_ =	sdelay $0x7  }
0x5d: {  	[tilespmem:v2+s21+$0x0] =	vst.idx.add.f32.msk $0xffff, v1  }
0x5e: {  	v2 =	vld [tilespmem:$0x4D70];
	_ =	sdelay $0x7  }
0x5f: {  	[tilespmem:v2+s21+$0x0] =	vst.idx.add.f32.msk $0xffff, v1  }
0x60: {  	_ =	swait.ge [sflag:s17], $0x2800  }
0x61: {  	[sflag:s17] =	ssyncset.done $0x0  }
0x62: {  	[sflag:s17] =	ssyncadd.s32 $0xFFFFD800  }
0x63: {  	[spmem:s2] =	stream.indirect.scatter.add.f32 [tilespmem:s19], [sflag:$0x2], $0x80, s23, s18, $0xb8;
	[tilespmem:$0x1FDB0] =	vst v63  }
0x64: {  	_ =	swait.ge [sflag:s22], $0x2800  }
0x65: {  	[sflag:s22] =	ssyncset.done $0x0  }
0x66: {  	[sflag:s22] =	ssyncadd.s32 $0xFFFFD800  }
0x67: {  	[tilespmem:s19], [sflag:$0x1] =	stream.indirect.gather [hbm4b:s1+s18], $0x80, s24, s18, $0xb8;
	[tilespmem:$0x1FDB0] =	vst v63  }
0x68: {  	v2 =	vld [tilespmem:$0x4D80];
	_ =	sdelay $0x7  }
0x69: {  	[tilespmem:v2+s21+$0x0] =	vst.idx.add.f32.msk $0xffff, v1  }
0x6a: {  	v2 =	vld [tilespmem:$0x4D90];
	_ =	sdelay $0x7  }
0x6b: {  	[tilespmem:v2+s21+$0x0] =	vst.idx.add.f32.msk $0xffff, v1  }
0x6c: {  	v2 =	vld [tilespmem:$0x4DA0];
	_ =	sdelay $0x7  }
0x6d: {  	[tilespmem:v2+s21+$0x0] =	vst.idx.add.f32.msk $0xffff, v1  }
0x6e: {  	v2 =	vld [tilespmem:$0x4DB0];
	_ =	sdelay $0x7  }
0x6f: {  	[tilespmem:v2+s21+$0x0] =	vst.idx.add.f32.msk $0xffff, v1  }
0x70: {  	v2 =	vld [tilespmem:$0x4DC0];
	_ =	sdelay $0x7  }
0x71: {  	[tilespmem:v2+s21+$0x0] =	vst.idx.add.f32.msk $0xffff, v1  }
0x72: {  	_ =	swait.ge [sflag:s17], $0x2800  }
0x73: {  	[sflag:s17] =	ssyncset.done $0x0  }
0x74: {  	[sflag:s17] =	ssyncadd.s32 $0xFFFFD800  }
0x75: {  	[spmem:s2] =	stream.indirect.scatter.add.f32 [tilespmem:s20], [sflag:$0x2], $0x80, s25, s18, $0xb8;
	[tilespmem:$0x1FDB0] =	vst v63  }
0x76: {  	_ =	swait.ge [sflag:s22], $0x2800  }
0x77: {  	[sflag:s22] =	ssyncset.done $0x0  }
0x78: {  	[sflag:s22] =	ssyncadd.s32 $0xFFFFD800  }
0x79: {  	v2 =	vld [tilespmem:$0x4DD0];
	_ =	sdelay $0x7  }
0x7a: {  	[tilespmem:v2+s21+$0x0] =	vst.idx.add.f32.msk $0xffff, v1  }
0x7b: {  	v2 =	vld [tilespmem:$0x4DE0];
	_ =	sdelay $0x7  }
0x7c: {  	[tilespmem:v2+s21+$0x0] =	vst.idx.add.f32.msk $0xffff, v1  }
0x7d: {  	v2 =	vld [tilespmem:$0x4DF0];
	_ =	sdelay $0x7  }
0x7e: {  	[tilespmem:v2+s21+$0x0] =	vst.idx.add.f32.msk $0xffff, v1  }
0x7f: {  	v2 =	vld [tilespmem:$0x4E00];
	_ =	sdelay $0x7  }
0x80: {  	[tilespmem:v2+s21+$0x0] =	vst.idx.add.f32.msk $0xffff, v1  }
0x81: {  	v2 =	vld [tilespmem:$0x4E10];
	_ =	sdelay $0x7  }
0x82: {  	[tilespmem:v2+s21+$0x0] =	vst.idx.add.f32.msk $0xffff, v1  }
0x83: {  	_ =	swait.ge [sflag:s17], $0x2800  }
0x84: {  	[sflag:s17] =	ssyncset.done $0x0  }
0x85: {  	[sflag:s17] =	ssyncadd.s32 $0xFFFFD800  }
0x86: {  	[spmem:s2] =	stream.indirect.scatter.add.f32 [tilespmem:s19], [sflag:$0x2], $0x80, s26, s18, $0xb8;
	[tilespmem:$0x1FDB0] =	vst v63  }
0x87: {  	_ =	swait.ge [sflag:s22], $0x2800  }
0x88: {  	[sflag:s22] =	ssyncset.done $0x0  }
0x89: {  	[sflag:s22] =	ssyncadd.s32 $0xFFFFD800  }
0x8a: {  	s29 =	simm.s32 @p0 $0x1FC2;
	[bflag:$0x0] =	sbarrier.arrive $0xFFFF  }
0x8b: {  	[hbm:s9], [sflag:s29] =	dma.local @p0 [spmem:s13], $0x2080  }
0x8c: {  	s29 =	simm.s32 @p0 $0x2  }
0x8d: {  	_ =	swait.ge @p0 [sflag:s29], $0x2080  }
0x8e: {  	[sflag:s29] =	ssyncset.done @p0 $0x0  }
0x8f: {  	[sflag:s29] =	ssyncadd.s32 @p0 $0xFFFFDF80;
	s29 =	sor.u32 @!p0 $0x1C02, s12  }
0x90: {  	[hbm:s8], [sflag:s29] =	dma.local @!p0 [spmem:s15], $0x2780  }
0x91: {  	s29 =	simm.s32 @!p0 $0x2  }
0x92: {  	s28 =	sadd.s32 $0x1, s28;
	_ =	swait.ge @!p0 [sflag:s29], $0x2780  }
0x93: {  	p1 =	sne.s32 s28, s11;
	[sflag:s29] =	ssyncset.done @!p0 $0x0  }
.Ltmp2:
0x94: {  	[sflag:s29] =	ssyncadd.s32 @!p0 $0xFFFFD880;
	(pc) =	sbr.rel @p1 .LBB2_1-.Ltmp2, $4  }
0x95: {  	[hbm4b:s10+s4] =	stream.linear.scatter [tilespmem:s21], [sflag:$0x2], $0x2710, $0x38;
	[tilespmem:$0x1FDB0] =	vst v63  }
0x96: {  	_ =	swait.ge [sflag:s22], $0x2710  }
0x97: {  	[sflag:s22] =	ssyncset.done $0x0  }
0x98: {  	[sflag:s22] =	ssyncadd.s32 $0xFFFFD8F0  }
0x99: {  	_ =	sfence.sel $0x180000  }
0x9a: {  	[bflag:$0x0] =	sbarrier.arrive $0xFFFF  }
0x9b: {  	p0 =	sne.s32 s3, $0x0;
	_ =	strace $0x90000047  }
0x9c: {  	s0 =	sadd.s32 @!p0 $0x100000, s0;
	[bflag:$0x2] =	sbarrier.arrive $0xFFFF  }
0x9d: {  	[sflag:s0] =	ssyncadd.tile.s32 @!p0 $0x1;
	_ =	shalt  }
.Lfunc_end2:
_tile_overlayer_lowered:
.L_overlay_start_2:
0x9e: {  	(tag) =	ssettag $0x2  }
0x9f: {  	s0 =	rddreg [dreg:$0x0];
	s2 =	stileid.u32  }
0xa0: {  	s1 =	rddreg [dreg:$0x1];
	p0 =	sne.s32 s2, $0x0  }
0xa1: {  	s3 =	rddreg [dreg:$0x2];
	[bflag:$0x3] =	sbarrier.arrive $0xFFFF;
	s2 =	simm.s32 @!p0 $0x1C02  }
0xa2: {  	[timem:s3], [sflag:s2] =	dma.local @!p0 [hbm:s0], s1  }
0xa3: {  	s0 =	simm.s32 @!p0 $0x2  }
0xa4: {  	_ =	swait.ge @!p0 [sflag:s0], s1  }
0xa5: {  	s1 =	ssub.s32 @!p0 $0x0, s1;
	[sflag:s0] =	ssyncset.done @!p0 $0x0  }
0xa6: {  	[sflag:s0] =	ssyncadd.s32 @!p0 s1  }
0xa7: {  	[bflag:$0x3] =	sbarrier.arrive $0xFFFF  }
0xa8: {  	_ =	shalt  }

</sc_bundles>
